<compile_context>
chip_gen: v7x
topology: tpu7x:2x2x1
jax: 0.10.2.dev20260603
libtpu: 0.0.44.dev20260713+nightly
codegen_flags: <defaults>
</compile_context>

<pallas_src>
import dataclasses
import functools

import jax
import jax.numpy as jnp
from jax import lax
from jax.experimental import pallas as pl
from jax.experimental.pallas import tpu as pltpu
from jax.experimental.pallas import tpu_sc as plsc

N = 10000
E = 320000
D = 128

NC = 2
NS = 16
NW = NC * NS
CH = 80
NF = 128
EPT = NF * CH
EP = NW * EPT
NB = 4
NP = 10240
RPT = NP // NS
ZR = 32

_mesh = plsc.VectorSubcoreMesh(core_axis_name="c", subcore_axis_name="s")

_cp = pltpu.CompilerParams()
if "needs_layout_passes" in pltpu.CompilerParams.__dataclass_fields__:
    _cp = dataclasses.replace(_cp, needs_layout_passes=False)


@functools.partial(
    pl.kernel,
    out_type=jax.ShapeDtypeStruct((NC * NP,), jnp.float32),
    mesh=_mesh,
    scratch_types=[
        pltpu.VMEM((NP,), jnp.float32),
        pltpu.VMEM((EPT,), jnp.int32),
        pltpu.VMEM_SHARED((NS, NP), jnp.float32),
        pltpu.VMEM((RPT,), jnp.float32),
        pltpu.VMEM((RPT,), jnp.float32),
    ],
    compiler_params=_cp,
)
def _deg_kernel(dst_hbm, out_hbm, hist_v, idx_v, shared, tmp_v, acc_v):
    c = lax.axis_index("c")
    s = lax.axis_index("s")
    wid = c * NS + s
    base = wid * EPT
    pltpu.sync_copy(dst_hbm.at[pl.ds(base, EPT)], idx_v)

    zero16 = jnp.zeros((16,), jnp.float32)
    ones16 = jnp.ones((16,), jnp.float32)

    @pl.loop(0, NP // 16)
    def _(i):
        hist_v[pl.ds(i * 16, 16)] = zero16

    @pl.loop(0, EPT // 16)
    def _(j):
        idx16 = idx_v[pl.ds(j * 16, 16)]
        plsc.addupdate_scatter(hist_v, [idx16], ones16)

    pltpu.sync_copy(hist_v, shared.at[s])
    plsc.subcore_barrier()

    pltpu.sync_copy(shared.at[0, pl.ds(s * RPT, RPT)], acc_v)

    @pl.loop(1, NS)
    def _(r):
        pltpu.sync_copy(shared.at[r, pl.ds(s * RPT, RPT)], tmp_v)

        @pl.loop(0, RPT // 16)
        def _(i):
            sl = pl.ds(i * 16, 16)
            acc_v[sl] = acc_v[sl] + tmp_v[sl]

    pltpu.sync_copy(acc_v, out_hbm.at[pl.ds(c * NP + s * RPT, RPT)])


@functools.partial(
    pl.kernel,
    out_type=jax.ShapeDtypeStruct((NC * NP, D), jnp.float32),
    mesh=_mesh,
    scratch_types=(
        [pltpu.VMEM_SHARED((NP, D), jnp.float32)]
        + [pltpu.VMEM((CH,), jnp.int32)] * NB
        + [pltpu.VMEM((CH,), jnp.int32)] * NB
        + [pltpu.VMEM((CH, D), jnp.float32)] * NB
        + [pltpu.VMEM((ZR, D), jnp.float32)]
        + [pltpu.SemaphoreType.DMA] * NB
    ),
)
def _agg_kernel(g_hbm, src_hbm, dst_hbm, zeros_hbm, out_hbm,
                acc_sh, *slots):
    sidx = slots[0:NB]
    didx = slots[NB:2 * NB]
    rows = slots[2 * NB:3 * NB]
    zer_v = slots[3 * NB]
    gsem = slots[3 * NB + 1:]
    cc = lax.axis_index("c")
    s = lax.axis_index("s")
    wid = cc * NS + s
    base = wid * EPT

    pltpu.sync_copy(zeros_hbm, zer_v)

    @pl.loop(0, RPT // ZR)
    def _(i):
        pltpu.sync_copy(zer_v, acc_sh.at[pl.ds(s * RPT + i * ZR, ZR)])

    plsc.subcore_barrier()

    def g_desc(b):
        return pltpu.make_async_copy(g_hbm.at[sidx[b]], rows[b], gsem[b])

    for b in range(NB):
        pltpu.sync_copy(src_hbm.at[pl.ds(base + b * CH, CH)], sidx[b])
        pltpu.sync_copy(dst_hbm.at[pl.ds(base + b * CH, CH)], didx[b])
        g_desc(b).start()

    @pl.loop(0, NF // NB - 1)
    def _(i):
        for b in range(NB):
            ch = i * NB + b
            g_desc(b).wait()
            pltpu.sync_copy(rows[b], acc_sh.at[didx[b]], add=True)
            pltpu.sync_copy(src_hbm.at[pl.ds(base + (ch + NB) * CH, CH)],
                            sidx[b])
            pltpu.sync_copy(dst_hbm.at[pl.ds(base + (ch + NB) * CH, CH)],
                            didx[b])
            g_desc(b).start()

    for b in range(NB):
        g_desc(b).wait()
        pltpu.sync_copy(rows[b], acc_sh.at[didx[b]], add=True)

    plsc.subcore_barrier()
    pltpu.sync_copy(acc_sh.at[pl.ds(s * RPT, RPT)],
                    out_hbm.at[pl.ds(cc * NP + s * RPT, RPT)])


BM = 1000


def _mm_body(x_ref, w_ref, d0_ref, d1_ref, g_ref):
    h = jnp.dot(x_ref[...], w_ref[...], preferred_element_type=jnp.float32)
    deg = d0_ref[...] + d1_ref[...] + 1.0
    g_ref[...] = h * lax.rsqrt(deg)


def _mm_call(x, W, deg0, deg1):
    return pl.pallas_call(
        _mm_body,
        grid=(N // BM,),
        in_specs=[
            pl.BlockSpec((BM, D), lambda i: (i, 0)),
            pl.BlockSpec((D, D), lambda i: (0, 0)),
            pl.BlockSpec((BM, 1), lambda i: (i, 0)),
            pl.BlockSpec((BM, 1), lambda i: (i, 0)),
        ],
        out_specs=pl.BlockSpec((BM, D), lambda i: (i, 0)),
        out_shape=jax.ShapeDtypeStruct((N, D), jnp.float32),
    )(x, W, deg0, deg1)


def _fin_body(s_ref, g_ref, d0_ref, d1_ref, x_ref, b_ref, gam_ref, bet_ref,
              o_ref):
    deg = d0_ref[...] + d1_ref[...] + 1.0
    dinv = lax.rsqrt(deg)
    agg = (s_ref[0] + s_ref[1] + g_ref[...]) * dinv + b_ref[...]
    mu = jnp.mean(agg, axis=-1, keepdims=True)
    xc = agg - mu
    var = jnp.mean(xc * xc, axis=-1, keepdims=True)
    y = xc * lax.rsqrt(var + 1e-5) * gam_ref[...] + bet_ref[...]
    o_ref[...] = jnp.maximum(y, 0.0) + x_ref[...]


def _fin_call(S3, g, deg0, deg1, x, b, gamma, beta):
    return pl.pallas_call(
        _fin_body,
        grid=(N // BM,),
        in_specs=[
            pl.BlockSpec((2, BM, D), lambda i: (0, i, 0)),
            pl.BlockSpec((BM, D), lambda i: (i, 0)),
            pl.BlockSpec((BM, 1), lambda i: (i, 0)),
            pl.BlockSpec((BM, 1), lambda i: (i, 0)),
            pl.BlockSpec((BM, D), lambda i: (i, 0)),
            pl.BlockSpec((1, D), lambda i: (0, 0)),
            pl.BlockSpec((1, D), lambda i: (0, 0)),
            pl.BlockSpec((1, D), lambda i: (0, 0)),
        ],
        out_specs=pl.BlockSpec((BM, D), lambda i: (i, 0)),
        out_shape=jax.ShapeDtypeStruct((N, D), jnp.float32),
    )(S3, g, deg0, deg1, x, b, gamma, beta)


def kernel(x, edge_index, W, b, gamma, beta):
    ei = edge_index.astype(jnp.int32)
    ppt = (EP - E) // NW
    lane = jnp.arange(ppt, dtype=jnp.int32)
    src_pad = jnp.broadcast_to(lane[None, :], (NW, ppt))
    dst_pad = jnp.broadcast_to((N + lane)[None, :], (NW, ppt))
    src = jnp.concatenate([ei[0].reshape(NW, E // NW), src_pad], 1).reshape(-1)
    dst = jnp.concatenate([ei[1].reshape(NW, E // NW), dst_pad], 1).reshape(-1)
    zerD = jnp.zeros((ZR, D), jnp.float32)

    degp = _deg_kernel(dst)
    deg0 = degp[:NP].reshape(NP, 1)
    deg1 = degp[NP:].reshape(NP, 1)
    g = _mm_call(x, W, deg0, deg1)
    S = _agg_kernel(g, src, dst, zerD)
    S3 = S.reshape(NC, NP, D)
    return _fin_call(S3, g, deg0, deg1, x,
                     b.reshape(1, D), gamma.reshape(1, D), beta.reshape(1, D))

# --- scband reference (transcript-rebuilt; emitter-appended) ---
"""Pipeline reference for scband-graph-conv-layer-9569187135763 (READ-ONLY COPY).

The authoritative reference and input builder live on the scoring server;
editing this copy changes nothing except your own understanding.
"""

import jax, jax.numpy as jnp
import numpy as np

N = 10000
E = 320000
D = 128


def setup_inputs(seed: int = 0) -> dict:
    key = jax.random.key(seed)
    k1, k2, k3 = jax.random.split(key, 3)
    x = jax.random.normal(k1, (N, D), dtype=jnp.float32)
    edge_index = jax.random.randint(k2, (2, E), 0, N)
    W = jax.random.normal(k3, (D, D), dtype=jnp.float32) * (1.0 / np.sqrt(D))
    b = jnp.zeros((D,), dtype=jnp.float32)
    gamma = jnp.ones((D,), dtype=jnp.float32)
    beta = jnp.zeros((D,), dtype=jnp.float32)
    return {"x": x, "edge_index": edge_index, "W": W, "b": b, "gamma": gamma, "beta": beta}


def reference(x, edge_index, W, b, gamma, beta):
    n = x.shape[0]
    src = edge_index[0]
    dst = edge_index[1]
    # GCNConv: add self-loops
    loop = jnp.arange(n, dtype=src.dtype)
    src = jnp.concatenate([src, loop])
    dst = jnp.concatenate([dst, loop])
    ew = jnp.ones((src.shape[0],), dtype=x.dtype)
    # symmetric normalization D^{-1/2} (A+I) D^{-1/2}
    deg = jax.ops.segment_sum(ew, dst, num_segments=n)
    dinv = jnp.where(deg > 0, jax.lax.rsqrt(deg), 0.0)
    norm = dinv[src] * dinv[dst] * ew
    # linear transform then gather-message-scatter
    h = x @ W
    msg = h[src] * norm[:, None]
    agg = jax.ops.segment_sum(msg, dst, num_segments=n) + b
    # LayerNorm
    mu = jnp.mean(agg, axis=-1, keepdims=True)
    var = jnp.mean((agg - mu) ** 2, axis=-1, keepdims=True)
    out = (agg - mu) / jnp.sqrt(var + 1e-5) * gamma + beta
    # ReLU, dropout (p=0.0 -> identity), residual (in_dim == out_dim)
    out = jax.nn.relu(out)
    out = out + x
    return out

if __name__ == "__main__":
    import jax
    _d = setup_inputs()
    print(jax.jit(kernel)(*tuple(_d.values())))

</pallas_src>

<mosaic_0001>
#map = affine_map<(d0, d1) -> (0, 0)>
#map1 = affine_map<(d0, d1) -> (0)>
module attributes {stable_mosaic.version = 14 : i64} {
  func.func @_agg_kernel(%arg0: i32, %arg1: i32, %arg2: memref<10000x128xf32, #tpu.memory_space<hbm>>, %arg3: memref<327680xi32, #tpu.memory_space<hbm>>, %arg4: memref<327680xi32, #tpu.memory_space<hbm>>, %arg5: memref<32x128xf32, #tpu.memory_space<hbm>>, %arg6: memref<20480x128xf32, #tpu.memory_space<hbm>>, %arg7: memref<10240x128xf32, #tpu.memory_space<vmem_shared>>, %arg8: memref<80xi32, #tpu.memory_space<vmem>>, %arg9: memref<80xi32, #tpu.memory_space<vmem>>, %arg10: memref<80xi32, #tpu.memory_space<vmem>>, %arg11: memref<80xi32, #tpu.memory_space<vmem>>, %arg12: memref<80xi32, #tpu.memory_space<vmem>>, %arg13: memref<80xi32, #tpu.memory_space<vmem>>, %arg14: memref<80xi32, #tpu.memory_space<vmem>>, %arg15: memref<80xi32, #tpu.memory_space<vmem>>, %arg16: memref<80x128xf32, #tpu.memory_space<vmem>>, %arg17: memref<80x128xf32, #tpu.memory_space<vmem>>, %arg18: memref<80x128xf32, #tpu.memory_space<vmem>>, %arg19: memref<80x128xf32, #tpu.memory_space<vmem>>, %arg20: memref<32x128xf32, #tpu.memory_space<vmem>>, %arg21: memref<!tpu.dma_semaphore, #tpu.memory_space<semaphore_mem>>, %arg22: memref<!tpu.dma_semaphore, #tpu.memory_space<semaphore_mem>>, %arg23: memref<!tpu.dma_semaphore, #tpu.memory_space<semaphore_mem>>, %arg24: memref<!tpu.dma_semaphore, #tpu.memory_space<semaphore_mem>>) attributes {dimension_semantics = [#tpu.dimension_semantics<core_parallel>, #tpu.dimension_semantics<subcore_parallel>], iteration_bounds = array<i64: 2, 16>, scalar_prefetch = 0 : i64, scratch_operands = 18 : i64, tpu.core_type = #tpu.core_type<sc_vector_subcore>, window_params = [{transform_indices = #map}, {transform_indices = #map1}, {transform_indices = #map1}, {transform_indices = #map}, {transform_indices = #map}]} {
    %mul3A = arith.constant 16 : i32
    %mul3A_0 = arith.muli %arg0, %mul3A : i32
    %add3A = arith.addi %mul3A_0, %arg1 : i32
    %mul3A_1 = arith.constant 10240 : i32
    %mul3A_2 = arith.muli %add3A, %mul3A_1 : i32
    "tpu.region"() ({
      %run_scoped3A = tpu.sem_alloc : memref<!tpu.dma_semaphore, #tpu.memory_space<semaphore_mem>>
      tpu.enqueue_dma source(%arg5 : memref<32x128xf32, #tpu.memory_space<hbm>>) target(%arg20 : memref<32x128xf32, #tpu.memory_space<vmem>>) target_semaphore(%run_scoped3A : memref<!tpu.dma_semaphore, #tpu.memory_space<semaphore_mem>>)
      tpu.wait_dma2 semaphore(%run_scoped3A : memref<!tpu.dma_semaphore, #tpu.memory_space<semaphore_mem>>) src(%arg5 : memref<32x128xf32, #tpu.memory_space<hbm>>) dst(%arg20 : memref<32x128xf32, #tpu.memory_space<vmem>>)
      tpu.yield
    }) : () -> ()
    %scan3A = arith.constant 0 : i32
    %scan3A_3 = arith.constant 20 : i32
    %scan3A_4 = arith.addi %scan3A, %scan3A_3 : i32
    %scan3A_5 = arith.constant 1 : i32
    scf.for %scan3A_58 = %scan3A to %scan3A_4 step %scan3A_5  : i32 {
      %mul3A_59 = arith.constant 1 : i32
      %mul3A_60 = arith.muli %scan3A_58, %mul3A_59 : i32
      %add3A_61 = arith.constant 0 : i32
      %add3A_62 = arith.addi %add3A_61, %mul3A_60 : i32
      %mul3A_63 = arith.constant 640 : i32
      %mul3A_64 = arith.muli %arg1, %mul3A_63 : i32
      %mul3A_65 = arith.constant 32 : i32
      %mul3A_66 = arith.muli %add3A_62, %mul3A_65 : i32
      %add3A_67 = arith.addi %mul3A_64, %mul3A_66 : i32
      "tpu.region"() ({
        %run_scoped3A = tpu.sem_alloc : memref<!tpu.dma_semaphore, #tpu.memory_space<semaphore_mem>>
        %dma_start3A_68 = arith.constant 0 : i32
        %dma_start3A_69 = tpu.memref_slice %arg7[%add3A_67, %dma_start3A_68] : memref<10240x128xf32, #tpu.memory_space<vmem_shared>> -> memref<32x128xf32, #tpu.memory_space<vmem_shared>>
        %dma_start3A_70 = arith.constant 0 : i32
        %dma_start3A_71 = tpu.memref_slice %arg7[%add3A_67, %dma_start3A_70] : memref<10240x128xf32, #tpu.memory_space<vmem_shared>> -> memref<32x128xf32, #tpu.memory_space<vmem_shared>>
        tpu.enqueue_dma source(%arg20 : memref<32x128xf32, #tpu.memory_space<vmem>>) target(%dma_start3A_71 : memref<32x128xf32, #tpu.memory_space<vmem_shared>>) target_semaphore(%run_scoped3A : memref<!tpu.dma_semaphore, #tpu.memory_space<semaphore_mem>>)
        %dma_wait3A_72 = arith.constant 0 : i32
        %dma_wait3A_73 = tpu.memref_slice %arg7[%add3A_67, %dma_wait3A_72] : memref<10240x128xf32, #tpu.memory_space<vmem_shared>> -> memref<32x128xf32, #tpu.memory_space<vmem_shared>>
        %dma_wait3A_74 = arith.constant 0 : i32
        %dma_wait3A_75 = tpu.memref_slice %arg7[%add3A_67, %dma_wait3A_74] : memref<10240x128xf32, #tpu.memory_space<vmem_shared>> -> memref<32x128xf32, #tpu.memory_space<vmem_shared>>
        tpu.wait_dma2 semaphore(%run_scoped3A : memref<!tpu.dma_semaphore, #tpu.memory_space<semaphore_mem>>) src(%arg20 : memref<32x128xf32, #tpu.memory_space<vmem>>) dst(%dma_wait3A_75 : memref<32x128xf32, #tpu.memory_space<vmem_shared>>)
        tpu.yield
      }) : () -> ()
    }
    %scan3A_6 = arith.constant 20 : i32
    %barrier3A = arith.constant 0 : index
    tpu.barrier barrier_id(%barrier3A)
    %add3A_7 = arith.constant 0 : i32
    %add3A_8 = arith.addi %mul3A_2, %add3A_7 : i32
    "tpu.region"() ({
      %run_scoped3A = tpu.sem_alloc : memref<!tpu.dma_semaphore, #tpu.memory_space<semaphore_mem>>
      %dma_start3A_58 = tpu.memref_slice %arg3[%add3A_8] : memref<327680xi32, #tpu.memory_space<hbm>> -> memref<80xi32, #tpu.memory_space<hbm>>
      %dma_start3A_59 = tpu.memref_slice %arg3[%add3A_8] : memref<327680xi32, #tpu.memory_space<hbm>> -> memref<80xi32, #tpu.memory_space<hbm>>
      tpu.enqueue_dma source(%dma_start3A_59 : memref<80xi32, #tpu.memory_space<hbm>>) target(%arg8 : memref<80xi32, #tpu.memory_space<vmem>>) target_semaphore(%run_scoped3A : memref<!tpu.dma_semaphore, #tpu.memory_space<semaphore_mem>>)
      %dma_wait3A_60 = tpu.memref_slice %arg3[%add3A_8] : memref<327680xi32, #tpu.memory_space<hbm>> -> memref<80xi32, #tpu.memory_space<hbm>>
      %dma_wait3A_61 = tpu.memref_slice %arg3[%add3A_8] : memref<327680xi32, #tpu.memory_space<hbm>> -> memref<80xi32, #tpu.memory_space<hbm>>
      tpu.wait_dma2 semaphore(%run_scoped3A : memref<!tpu.dma_semaphore, #tpu.memory_space<semaphore_mem>>) src(%dma_wait3A_61 : memref<80xi32, #tpu.memory_space<hbm>>) dst(%arg8 : memref<80xi32, #tpu.memory_space<vmem>>)
      tpu.yield
    }) : () -> ()
    %add3A_9 = arith.constant 0 : i32
    %add3A_10 = arith.addi %mul3A_2, %add3A_9 : i32
    "tpu.region"() ({
      %run_scoped3A = tpu.sem_alloc : memref<!tpu.dma_semaphore, #tpu.memory_space<semaphore_mem>>
      %dma_start3A_58 = tpu.memref_slice %arg4[%add3A_10] : memref<327680xi32, #tpu.memory_space<hbm>> -> memref<80xi32, #tpu.memory_space<hbm>>
      %dma_start3A_59 = tpu.memref_slice %arg4[%add3A_10] : memref<327680xi32, #tpu.memory_space<hbm>> -> memref<80xi32, #tpu.memory_space<hbm>>
      tpu.enqueue_dma source(%dma_start3A_59 : memref<80xi32, #tpu.memory_space<hbm>>) target(%arg12 : memref<80xi32, #tpu.memory_space<vmem>>) target_semaphore(%run_scoped3A : memref<!tpu.dma_semaphore, #tpu.memory_space<semaphore_mem>>)
      %dma_wait3A_60 = tpu.memref_slice %arg4[%add3A_10] : memref<327680xi32, #tpu.memory_space<hbm>> -> memref<80xi32, #tpu.memory_space<hbm>>
      %dma_wait3A_61 = tpu.memref_slice %arg4[%add3A_10] : memref<327680xi32, #tpu.memory_space<hbm>> -> memref<80xi32, #tpu.memory_space<hbm>>
      tpu.wait_dma2 semaphore(%run_scoped3A : memref<!tpu.dma_semaphore, #tpu.memory_space<semaphore_mem>>) src(%dma_wait3A_61 : memref<80xi32, #tpu.memory_space<hbm>>) dst(%arg12 : memref<80xi32, #tpu.memory_space<vmem>>)
      tpu.yield
    }) : () -> ()
    %dma_start3A = arith.constant 0 : i32
    %dma_start3A_11 = arith.constant 0 : i32
    %dma_start3A_12 = tpu.memref_slice %arg2[%dma_start3A, %dma_start3A_11] : memref<10000x128xf32, #tpu.memory_space<hbm>> -> memref<10000x128xf32, #tpu.memory_space<hbm>>
    tpu.enqueue_indirect_dma source(%dma_start3A_12 : memref<10000x128xf32, #tpu.memory_space<hbm>>) target(%arg16 : memref<80x128xf32, #tpu.memory_space<vmem>>) offsets(%arg8 : memref<80xi32, #tpu.memory_space<vmem>>) semaphore(%arg21 : memref<!tpu.dma_semaphore, #tpu.memory_space<semaphore_mem>>)
    %add3A_13 = arith.constant 80 : i32
    %add3A_14 = arith.addi %mul3A_2, %add3A_13 : i32
    "tpu.region"() ({
      %run_scoped3A = tpu.sem_alloc : memref<!tpu.dma_semaphore, #tpu.memory_space<semaphore_mem>>
      %dma_start3A_58 = tpu.memref_slice %arg3[%add3A_14] : memref<327680xi32, #tpu.memory_space<hbm>> -> memref<80xi32, #tpu.memory_space<hbm>>
      %dma_start3A_59 = tpu.memref_slice %arg3[%add3A_14] : memref<327680xi32, #tpu.memory_space<hbm>> -> memref<80xi32, #tpu.memory_space<hbm>>
      tpu.enqueue_dma source(%dma_start3A_59 : memref<80xi32, #tpu.memory_space<hbm>>) target(%arg9 : memref<80xi32, #tpu.memory_space<vmem>>) target_semaphore(%run_scoped3A : memref<!tpu.dma_semaphore, #tpu.memory_space<semaphore_mem>>)
      %dma_wait3A_60 = tpu.memref_slice %arg3[%add3A_14] : memref<327680xi32, #tpu.memory_space<hbm>> -> memref<80xi32, #tpu.memory_space<hbm>>
      %dma_wait3A_61 = tpu.memref_slice %arg3[%add3A_14] : memref<327680xi32, #tpu.memory_space<hbm>> -> memref<80xi32, #tpu.memory_space<hbm>>
      tpu.wait_dma2 semaphore(%run_scoped3A : memref<!tpu.dma_semaphore, #tpu.memory_space<semaphore_mem>>) src(%dma_wait3A_61 : memref<80xi32, #tpu.memory_space<hbm>>) dst(%arg9 : memref<80xi32, #tpu.memory_space<vmem>>)
      tpu.yield
    }) : () -> ()
    %add3A_15 = arith.constant 80 : i32
    %add3A_16 = arith.addi %mul3A_2, %add3A_15 : i32
    "tpu.region"() ({
      %run_scoped3A = tpu.sem_alloc : memref<!tpu.dma_semaphore, #tpu.memory_space<semaphore_mem>>
      %dma_start3A_58 = tpu.memref_slice %arg4[%add3A_16] : memref<327680xi32, #tpu.memory_space<hbm>> -> memref<80xi32, #tpu.memory_space<hbm>>
      %dma_start3A_59 = tpu.memref_slice %arg4[%add3A_16] : memref<327680xi32, #tpu.memory_space<hbm>> -> memref<80xi32, #tpu.memory_space<hbm>>
      tpu.enqueue_dma source(%dma_start3A_59 : memref<80xi32, #tpu.memory_space<hbm>>) target(%arg13 : memref<80xi32, #tpu.memory_space<vmem>>) target_semaphore(%run_scoped3A : memref<!tpu.dma_semaphore, #tpu.memory_space<semaphore_mem>>)
      %dma_wait3A_60 = tpu.memref_slice %arg4[%add3A_16] : memref<327680xi32, #tpu.memory_space<hbm>> -> memref<80xi32, #tpu.memory_space<hbm>>
      %dma_wait3A_61 = tpu.memref_slice %arg4[%add3A_16] : memref<327680xi32, #tpu.memory_space<hbm>> -> memref<80xi32, #tpu.memory_space<hbm>>
      tpu.wait_dma2 semaphore(%run_scoped3A : memref<!tpu.dma_semaphore, #tpu.memory_space<semaphore_mem>>) src(%dma_wait3A_61 : memref<80xi32, #tpu.memory_space<hbm>>) dst(%arg13 : memref<80xi32, #tpu.memory_space<vmem>>)
      tpu.yield
    }) : () -> ()
    %dma_start3A_17 = arith.constant 0 : i32
    %dma_start3A_18 = arith.constant 0 : i32
    %dma_start3A_19 = tpu.memref_slice %arg2[%dma_start3A_17, %dma_start3A_18] : memref<10000x128xf32, #tpu.memory_space<hbm>> -> memref<10000x128xf32, #tpu.memory_space<hbm>>
    tpu.enqueue_indirect_dma source(%dma_start3A_19 : memref<10000x128xf32, #tpu.memory_space<hbm>>) target(%arg17 : memref<80x128xf32, #tpu.memory_space<vmem>>) offsets(%arg9 : memref<80xi32, #tpu.memory_space<vmem>>) semaphore(%arg22 : memref<!tpu.dma_semaphore, #tpu.memory_space<semaphore_mem>>)
    %add3A_20 = arith.constant 160 : i32
    %add3A_21 = arith.addi %mul3A_2, %add3A_20 : i32
    "tpu.region"() ({
      %run_scoped3A = tpu.sem_alloc : memref<!tpu.dma_semaphore, #tpu.memory_space<semaphore_mem>>
      %dma_start3A_58 = tpu.memref_slice %arg3[%add3A_21] : memref<327680xi32, #tpu.memory_space<hbm>> -> memref<80xi32, #tpu.memory_space<hbm>>
      %dma_start3A_59 = tpu.memref_slice %arg3[%add3A_21] : memref<327680xi32, #tpu.memory_space<hbm>> -> memref<80xi32, #tpu.memory_space<hbm>>
      tpu.enqueue_dma source(%dma_start3A_59 : memref<80xi32, #tpu.memory_space<hbm>>) target(%arg10 : memref<80xi32, #tpu.memory_space<vmem>>) target_semaphore(%run_scoped3A : memref<!tpu.dma_semaphore, #tpu.memory_space<semaphore_mem>>)
      %dma_wait3A_60 = tpu.memref_slice %arg3[%add3A_21] : memref<327680xi32, #tpu.memory_space<hbm>> -> memref<80xi32, #tpu.memory_space<hbm>>
      %dma_wait3A_61 = tpu.memref_slice %arg3[%add3A_21] : memref<327680xi32, #tpu.memory_space<hbm>> -> memref<80xi32, #tpu.memory_space<hbm>>
      tpu.wait_dma2 semaphore(%run_scoped3A : memref<!tpu.dma_semaphore, #tpu.memory_space<semaphore_mem>>) src(%dma_wait3A_61 : memref<80xi32, #tpu.memory_space<hbm>>) dst(%arg10 : memref<80xi32, #tpu.memory_space<vmem>>)
      tpu.yield
    }) : () -> ()
    %add3A_22 = arith.constant 160 : i32
    %add3A_23 = arith.addi %mul3A_2, %add3A_22 : i32
    "tpu.region"() ({
      %run_scoped3A = tpu.sem_alloc : memref<!tpu.dma_semaphore, #tpu.memory_space<semaphore_mem>>
      %dma_start3A_58 = tpu.memref_slice %arg4[%add3A_23] : memref<327680xi32, #tpu.memory_space<hbm>> -> memref<80xi32, #tpu.memory_space<hbm>>
      %dma_start3A_59 = tpu.memref_slice %arg4[%add3A_23] : memref<327680xi32, #tpu.memory_space<hbm>> -> memref<80xi32, #tpu.memory_space<hbm>>
      tpu.enqueue_dma source(%dma_start3A_59 : memref<80xi32, #tpu.memory_space<hbm>>) target(%arg14 : memref<80xi32, #tpu.memory_space<vmem>>) target_semaphore(%run_scoped3A : memref<!tpu.dma_semaphore, #tpu.memory_space<semaphore_mem>>)
      %dma_wait3A_60 = tpu.memref_slice %arg4[%add3A_23] : memref<327680xi32, #tpu.memory_space<hbm>> -> memref<80xi32, #tpu.memory_space<hbm>>
      %dma_wait3A_61 = tpu.memref_slice %arg4[%add3A_23] : memref<327680xi32, #tpu.memory_space<hbm>> -> memref<80xi32, #tpu.memory_space<hbm>>
      tpu.wait_dma2 semaphore(%run_scoped3A : memref<!tpu.dma_semaphore, #tpu.memory_space<semaphore_mem>>) src(%dma_wait3A_61 : memref<80xi32, #tpu.memory_space<hbm>>) dst(%arg14 : memref<80xi32, #tpu.memory_space<vmem>>)
      tpu.yield
    }) : () -> ()
    %dma_start3A_24 = arith.constant 0 : i32
    %dma_start3A_25 = arith.constant 0 : i32
    %dma_start3A_26 = tpu.memref_slice %arg2[%dma_start3A_24, %dma_start3A_25] : memref<10000x128xf32, #tpu.memory_space<hbm>> -> memref<10000x128xf32, #tpu.memory_space<hbm>>
    tpu.enqueue_indirect_dma source(%dma_start3A_26 : memref<10000x128xf32, #tpu.memory_space<hbm>>) target(%arg18 : memref<80x128xf32, #tpu.memory_space<vmem>>) offsets(%arg10 : memref<80xi32, #tpu.memory_space<vmem>>) semaphore(%arg23 : memref<!tpu.dma_semaphore, #tpu.memory_space<semaphore_mem>>)
    %add3A_27 = arith.constant 240 : i32
    %add3A_28 = arith.addi %mul3A_2, %add3A_27 : i32
    "tpu.region"() ({
      %run_scoped3A = tpu.sem_alloc : memref<!tpu.dma_semaphore, #tpu.memory_space<semaphore_mem>>
      %dma_start3A_58 = tpu.memref_slice %arg3[%add3A_28] : memref<327680xi32, #tpu.memory_space<hbm>> -> memref<80xi32, #tpu.memory_space<hbm>>
      %dma_start3A_59 = tpu.memref_slice %arg3[%add3A_28] : memref<327680xi32, #tpu.memory_space<hbm>> -> memref<80xi32, #tpu.memory_space<hbm>>
      tpu.enqueue_dma source(%dma_start3A_59 : memref<80xi32, #tpu.memory_space<hbm>>) target(%arg11 : memref<80xi32, #tpu.memory_space<vmem>>) target_semaphore(%run_scoped3A : memref<!tpu.dma_semaphore, #tpu.memory_space<semaphore_mem>>)
      %dma_wait3A_60 = tpu.memref_slice %arg3[%add3A_28] : memref<327680xi32, #tpu.memory_space<hbm>> -> memref<80xi32, #tpu.memory_space<hbm>>
      %dma_wait3A_61 = tpu.memref_slice %arg3[%add3A_28] : memref<327680xi32, #tpu.memory_space<hbm>> -> memref<80xi32, #tpu.memory_space<hbm>>
      tpu.wait_dma2 semaphore(%run_scoped3A : memref<!tpu.dma_semaphore, #tpu.memory_space<semaphore_mem>>) src(%dma_wait3A_61 : memref<80xi32, #tpu.memory_space<hbm>>) dst(%arg11 : memref<80xi32, #tpu.memory_space<vmem>>)
      tpu.yield
    }) : () -> ()
    %add3A_29 = arith.constant 240 : i32
    %add3A_30 = arith.addi %mul3A_2, %add3A_29 : i32
    "tpu.region"() ({
      %run_scoped3A = tpu.sem_alloc : memref<!tpu.dma_semaphore, #tpu.memory_space<semaphore_mem>>
      %dma_start3A_58 = tpu.memref_slice %arg4[%add3A_30] : memref<327680xi32, #tpu.memory_space<hbm>> -> memref<80xi32, #tpu.memory_space<hbm>>
      %dma_start3A_59 = tpu.memref_slice %arg4[%add3A_30] : memref<327680xi32, #tpu.memory_space<hbm>> -> memref<80xi32, #tpu.memory_space<hbm>>
      tpu.enqueue_dma source(%dma_start3A_59 : memref<80xi32, #tpu.memory_space<hbm>>) target(%arg15 : memref<80xi32, #tpu.memory_space<vmem>>) target_semaphore(%run_scoped3A : memref<!tpu.dma_semaphore, #tpu.memory_space<semaphore_mem>>)
      %dma_wait3A_60 = tpu.memref_slice %arg4[%add3A_30] : memref<327680xi32, #tpu.memory_space<hbm>> -> memref<80xi32, #tpu.memory_space<hbm>>
      %dma_wait3A_61 = tpu.memref_slice %arg4[%add3A_30] : memref<327680xi32, #tpu.memory_space<hbm>> -> memref<80xi32, #tpu.memory_space<hbm>>
      tpu.wait_dma2 semaphore(%run_scoped3A : memref<!tpu.dma_semaphore, #tpu.memory_space<semaphore_mem>>) src(%dma_wait3A_61 : memref<80xi32, #tpu.memory_space<hbm>>) dst(%arg15 : memref<80xi32, #tpu.memory_space<vmem>>)
      tpu.yield
    }) : () -> ()
    %dma_start3A_31 = arith.constant 0 : i32
    %dma_start3A_32 = arith.constant 0 : i32
    %dma_start3A_33 = tpu.memref_slice %arg2[%dma_start3A_31, %dma_start3A_32] : memref<10000x128xf32, #tpu.memory_space<hbm>> -> memref<10000x128xf32, #tpu.memory_space<hbm>>
    tpu.enqueue_indirect_dma source(%dma_start3A_33 : memref<10000x128xf32, #tpu.memory_space<hbm>>) target(%arg19 : memref<80x128xf32, #tpu.memory_space<vmem>>) offsets(%arg11 : memref<80xi32, #tpu.memory_space<vmem>>) semaphore(%arg24 : memref<!tpu.dma_semaphore, #tpu.memory_space<semaphore_mem>>)
    %scan3A_34 = arith.constant 0 : i32
    %scan3A_35 = arith.constant 31 : i32
    %scan3A_36 = arith.addi %scan3A_34, %scan3A_35 : i32
    %scan3A_37 = arith.constant 1 : i32
    scf.for %scan3A_58 = %scan3A_34 to %scan3A_36 step %scan3A_37  : i32 {
      %mul3A_59 = arith.constant 1 : i32
      %mul3A_60 = arith.muli %scan3A_58, %mul3A_59 : i32
      %add3A_61 = arith.constant 0 : i32
      %add3A_62 = arith.addi %add3A_61, %mul3A_60 : i32
      %mul3A_63 = arith.constant 4 : i32
      %mul3A_64 = arith.muli %add3A_62, %mul3A_63 : i32
      %add3A_65 = arith.constant 0 : i32
      %add3A_66 = arith.addi %mul3A_64, %add3A_65 : i32
      %dma_wait3A_67 = arith.constant 0 : i32
      %dma_wait3A_68 = arith.constant 0 : i32
      %dma_wait3A_69 = tpu.memref_slice %arg2[%dma_wait3A_67, %dma_wait3A_68] : memref<10000x128xf32, #tpu.memory_space<hbm>> -> memref<10000x128xf32, #tpu.memory_space<hbm>>
      tpu.wait_indirect_dma semaphore(%arg21 : memref<!tpu.dma_semaphore, #tpu.memory_space<semaphore_mem>>) src(%dma_wait3A_69 : memref<10000x128xf32, #tpu.memory_space<hbm>>) dst(%arg16 : memref<80x128xf32, #tpu.memory_space<vmem>>)
      "tpu.region"() ({
        %run_scoped3A = tpu.sem_alloc : memref<!tpu.dma_semaphore, #tpu.memory_space<semaphore_mem>>
        %dma_start3A_143 = arith.constant 0 : i32
        %dma_start3A_144 = arith.constant 0 : i32
        %dma_start3A_145 = tpu.memref_slice %arg7[%dma_start3A_143, %dma_start3A_144] : memref<10240x128xf32, #tpu.memory_space<vmem_shared>> -> memref<10240x128xf32, #tpu.memory_space<vmem_shared>>
        tpu.enqueue_indirect_dma source(%arg16 : memref<80x128xf32, #tpu.memory_space<vmem>>) target(%dma_start3A_145 : memref<10240x128xf32, #tpu.memory_space<vmem_shared>>) offsets(%arg12 : memref<80xi32, #tpu.memory_space<vmem>>) semaphore(%run_scoped3A : memref<!tpu.dma_semaphore, #tpu.memory_space<semaphore_mem>>) {add = true}
        %dma_wait3A_146 = arith.constant 0 : i32
        %dma_wait3A_147 = arith.constant 0 : i32
        %dma_wait3A_148 = tpu.memref_slice %arg7[%dma_wait3A_146, %dma_wait3A_147] : memref<10240x128xf32, #tpu.memory_space<vmem_shared>> -> memref<10240x128xf32, #tpu.memory_space<vmem_shared>>
        tpu.wait_indirect_dma semaphore(%run_scoped3A : memref<!tpu.dma_semaphore, #tpu.memory_space<semaphore_mem>>) src(%arg16 : memref<80x128xf32, #tpu.memory_space<vmem>>) dst(%dma_wait3A_148 : memref<10240x128xf32, #tpu.memory_space<vmem_shared>>)
        tpu.yield
      }) : () -> ()
      %add3A_70 = arith.constant 4 : i32
      %add3A_71 = arith.addi %add3A_66, %add3A_70 : i32
      %mul3A_72 = arith.constant 80 : i32
      %mul3A_73 = arith.muli %add3A_71, %mul3A_72 : i32
      %add3A_74 = arith.addi %mul3A_2, %mul3A_73 : i32
      "tpu.region"() ({
        %run_scoped3A = tpu.sem_alloc : memref<!tpu.dma_semaphore, #tpu.memory_space<semaphore_mem>>
        %dma_start3A_143 = tpu.memref_slice %arg3[%add3A_74] : memref<327680xi32, #tpu.memory_space<hbm>> -> memref<80xi32, #tpu.memory_space<hbm>>
        %dma_start3A_144 = tpu.memref_slice %arg3[%add3A_74] : memref<327680xi32, #tpu.memory_space<hbm>> -> memref<80xi32, #tpu.memory_space<hbm>>
        tpu.enqueue_dma source(%dma_start3A_144 : memref<80xi32, #tpu.memory_space<hbm>>) target(%arg8 : memref<80xi32, #tpu.memory_space<vmem>>) target_semaphore(%run_scoped3A : memref<!tpu.dma_semaphore, #tpu.memory_space<semaphore_mem>>)
        %dma_wait3A_145 = tpu.memref_slice %arg3[%add3A_74] : memref<327680xi32, #tpu.memory_space<hbm>> -> memref<80xi32, #tpu.memory_space<hbm>>
        %dma_wait3A_146 = tpu.memref_slice %arg3[%add3A_74] : memref<327680xi32, #tpu.memory_space<hbm>> -> memref<80xi32, #tpu.memory_space<hbm>>
        tpu.wait_dma2 semaphore(%run_scoped3A : memref<!tpu.dma_semaphore, #tpu.memory_space<semaphore_mem>>) src(%dma_wait3A_146 : memref<80xi32, #tpu.memory_space<hbm>>) dst(%arg8 : memref<80xi32, #tpu.memory_space<vmem>>)
        tpu.yield
      }) : () -> ()
      %add3A_75 = arith.constant 4 : i32
      %add3A_76 = arith.addi %add3A_66, %add3A_75 : i32
      %mul3A_77 = arith.constant 80 : i32
      %mul3A_78 = arith.muli %add3A_76, %mul3A_77 : i32
      %add3A_79 = arith.addi %mul3A_2, %mul3A_78 : i32
      "tpu.region"() ({
        %run_scoped3A = tpu.sem_alloc : memref<!tpu.dma_semaphore, #tpu.memory_space<semaphore_mem>>
        %dma_start3A_143 = tpu.memref_slice %arg4[%add3A_79] : memref<327680xi32, #tpu.memory_space<hbm>> -> memref<80xi32, #tpu.memory_space<hbm>>
        %dma_start3A_144 = tpu.memref_slice %arg4[%add3A_79] : memref<327680xi32, #tpu.memory_space<hbm>> -> memref<80xi32, #tpu.memory_space<hbm>>
        tpu.enqueue_dma source(%dma_start3A_144 : memref<80xi32, #tpu.memory_space<hbm>>) target(%arg12 : memref<80xi32, #tpu.memory_space<vmem>>) target_semaphore(%run_scoped3A : memref<!tpu.dma_semaphore, #tpu.memory_space<semaphore_mem>>)
        %dma_wait3A_145 = tpu.memref_slice %arg4[%add3A_79] : memref<327680xi32, #tpu.memory_space<hbm>> -> memref<80xi32, #tpu.memory_space<hbm>>
        %dma_wait3A_146 = tpu.memref_slice %arg4[%add3A_79] : memref<327680xi32, #tpu.memory_space<hbm>> -> memref<80xi32, #tpu.memory_space<hbm>>
        tpu.wait_dma2 semaphore(%run_scoped3A : memref<!tpu.dma_semaphore, #tpu.memory_space<semaphore_mem>>) src(%dma_wait3A_146 : memref<80xi32, #tpu.memory_space<hbm>>) dst(%arg12 : memref<80xi32, #tpu.memory_space<vmem>>)
        tpu.yield
      }) : () -> ()
      %dma_start3A_80 = arith.constant 0 : i32
      %dma_start3A_81 = arith.constant 0 : i32
      %dma_start3A_82 = tpu.memref_slice %arg2[%dma_start3A_80, %dma_start3A_81] : memref<10000x128xf32, #tpu.memory_space<hbm>> -> memref<10000x128xf32, #tpu.memory_space<hbm>>
      tpu.enqueue_indirect_dma source(%dma_start3A_82 : memref<10000x128xf32, #tpu.memory_space<hbm>>) target(%arg16 : memref<80x128xf32, #tpu.memory_space<vmem>>) offsets(%arg8 : memref<80xi32, #tpu.memory_space<vmem>>) semaphore(%arg21 : memref<!tpu.dma_semaphore, #tpu.memory_space<semaphore_mem>>)
      %mul3A_83 = arith.constant 4 : i32
      %mul3A_84 = arith.muli %add3A_62, %mul3A_83 : i32
      %add3A_85 = arith.constant 1 : i32
      %add3A_86 = arith.addi %mul3A_84, %add3A_85 : i32
      %dma_wait3A_87 = arith.constant 0 : i32
      %dma_wait3A_88 = arith.constant 0 : i32
      %dma_wait3A_89 = tpu.memref_slice %arg2[%dma_wait3A_87, %dma_wait3A_88] : memref<10000x128xf32, #tpu.memory_space<hbm>> -> memref<10000x128xf32, #tpu.memory_space<hbm>>
      tpu.wait_indirect_dma semaphore(%arg22 : memref<!tpu.dma_semaphore, #tpu.memory_space<semaphore_mem>>) src(%dma_wait3A_89 : memref<10000x128xf32, #tpu.memory_space<hbm>>) dst(%arg17 : memref<80x128xf32, #tpu.memory_space<vmem>>)
      "tpu.region"() ({
        %run_scoped3A = tpu.sem_alloc : memref<!tpu.dma_semaphore, #tpu.memory_space<semaphore_mem>>
        %dma_start3A_143 = arith.constant 0 : i32
        %dma_start3A_144 = arith.constant 0 : i32
        %dma_start3A_145 = tpu.memref_slice %arg7[%dma_start3A_143, %dma_start3A_144] : memref<10240x128xf32, #tpu.memory_space<vmem_shared>> -> memref<10240x128xf32, #tpu.memory_space<vmem_shared>>
        tpu.enqueue_indirect_dma source(%arg17 : memref<80x128xf32, #tpu.memory_space<vmem>>) target(%dma_start3A_145 : memref<10240x128xf32, #tpu.memory_space<vmem_shared>>) offsets(%arg13 : memref<80xi32, #tpu.memory_space<vmem>>) semaphore(%run_scoped3A : memref<!tpu.dma_semaphore, #tpu.memory_space<semaphore_mem>>) {add = true}
        %dma_wait3A_146 = arith.constant 0 : i32
        %dma_wait3A_147 = arith.constant 0 : i32
        %dma_wait3A_148 = tpu.memref_slice %arg7[%dma_wait3A_146, %dma_wait3A_147] : memref<10240x128xf32, #tpu.memory_space<vmem_shared>> -> memref<10240x128xf32, #tpu.memory_space<vmem_shared>>
        tpu.wait_indirect_dma semaphore(%run_scoped3A : memref<!tpu.dma_semaphore, #tpu.memory_space<semaphore_mem>>) src(%arg17 : memref<80x128xf32, #tpu.memory_space<vmem>>) dst(%dma_wait3A_148 : memref<10240x128xf32, #tpu.memory_space<vmem_shared>>)
        tpu.yield
      }) : () -> ()
      %add3A_90 = arith.constant 4 : i32
      %add3A_91 = arith.addi %add3A_86, %add3A_90 : i32
      %mul3A_92 = arith.constant 80 : i32
      %mul3A_93 = arith.muli %add3A_91, %mul3A_92 : i32
      %add3A_94 = arith.addi %mul3A_2, %mul3A_93 : i32
      "tpu.region"() ({
        %run_scoped3A = tpu.sem_alloc : memref<!tpu.dma_semaphore, #tpu.memory_space<semaphore_mem>>
        %dma_start3A_143 = tpu.memref_slice %arg3[%add3A_94] : memref<327680xi32, #tpu.memory_space<hbm>> -> memref<80xi32, #tpu.memory_space<hbm>>
        %dma_start3A_144 = tpu.memref_slice %arg3[%add3A_94] : memref<327680xi32, #tpu.memory_space<hbm>> -> memref<80xi32, #tpu.memory_space<hbm>>
        tpu.enqueue_dma source(%dma_start3A_144 : memref<80xi32, #tpu.memory_space<hbm>>) target(%arg9 : memref<80xi32, #tpu.memory_space<vmem>>) target_semaphore(%run_scoped3A : memref<!tpu.dma_semaphore, #tpu.memory_space<semaphore_mem>>)
        %dma_wait3A_145 = tpu.memref_slice %arg3[%add3A_94] : memref<327680xi32, #tpu.memory_space<hbm>> -> memref<80xi32, #tpu.memory_space<hbm>>
        %dma_wait3A_146 = tpu.memref_slice %arg3[%add3A_94] : memref<327680xi32, #tpu.memory_space<hbm>> -> memref<80xi32, #tpu.memory_space<hbm>>
        tpu.wait_dma2 semaphore(%run_scoped3A : memref<!tpu.dma_semaphore, #tpu.memory_space<semaphore_mem>>) src(%dma_wait3A_146 : memref<80xi32, #tpu.memory_space<hbm>>) dst(%arg9 : memref<80xi32, #tpu.memory_space<vmem>>)
        tpu.yield
      }) : () -> ()
      %add3A_95 = arith.constant 4 : i32
      %add3A_96 = arith.addi %add3A_86, %add3A_95 : i32
      %mul3A_97 = arith.constant 80 : i32
      %mul3A_98 = arith.muli %add3A_96, %mul3A_97 : i32
      %add3A_99 = arith.addi %mul3A_2, %mul3A_98 : i32
      "tpu.region"() ({
        %run_scoped3A = tpu.sem_alloc : memref<!tpu.dma_semaphore, #tpu.memory_space<semaphore_mem>>
        %dma_start3A_143 = tpu.memref_slice %arg4[%add3A_99] : memref<327680xi32, #tpu.memory_space<hbm>> -> memref<80xi32, #tpu.memory_space<hbm>>
        %dma_start3A_144 = tpu.memref_slice %arg4[%add3A_99] : memref<327680xi32, #tpu.memory_space<hbm>> -> memref<80xi32, #tpu.memory_space<hbm>>
        tpu.enqueue_dma source(%dma_start3A_144 : memref<80xi32, #tpu.memory_space<hbm>>) target(%arg13 : memref<80xi32, #tpu.memory_space<vmem>>) target_semaphore(%run_scoped3A : memref<!tpu.dma_semaphore, #tpu.memory_space<semaphore_mem>>)
        %dma_wait3A_145 = tpu.memref_slice %arg4[%add3A_99] : memref<327680xi32, #tpu.memory_space<hbm>> -> memref<80xi32, #tpu.memory_space<hbm>>
        %dma_wait3A_146 = tpu.memref_slice %arg4[%add3A_99] : memref<327680xi32, #tpu.memory_space<hbm>> -> memref<80xi32, #tpu.memory_space<hbm>>
        tpu.wait_dma2 semaphore(%run_scoped3A : memref<!tpu.dma_semaphore, #tpu.memory_space<semaphore_mem>>) src(%dma_wait3A_146 : memref<80xi32, #tpu.memory_space<hbm>>) dst(%arg13 : memref<80xi32, #tpu.memory_space<vmem>>)
        tpu.yield
      }) : () -> ()
      %dma_start3A_100 = arith.constant 0 : i32
      %dma_start3A_101 = arith.constant 0 : i32
      %dma_start3A_102 = tpu.memref_slice %arg2[%dma_start3A_100, %dma_start3A_101] : memref<10000x128xf32, #tpu.memory_space<hbm>> -> memref<10000x128xf32, #tpu.memory_space<hbm>>
      tpu.enqueue_indirect_dma source(%dma_start3A_102 : memref<10000x128xf32, #tpu.memory_space<hbm>>) target(%arg17 : memref<80x128xf32, #tpu.memory_space<vmem>>) offsets(%arg9 : memref<80xi32, #tpu.memory_space<vmem>>) semaphore(%arg22 : memref<!tpu.dma_semaphore, #tpu.memory_space<semaphore_mem>>)
      %mul3A_103 = arith.constant 4 : i32
      %mul3A_104 = arith.muli %add3A_62, %mul3A_103 : i32
      %add3A_105 = arith.constant 2 : i32
      %add3A_106 = arith.addi %mul3A_104, %add3A_105 : i32
      %dma_wait3A_107 = arith.constant 0 : i32
      %dma_wait3A_108 = arith.constant 0 : i32
      %dma_wait3A_109 = tpu.memref_slice %arg2[%dma_wait3A_107, %dma_wait3A_108] : memref<10000x128xf32, #tpu.memory_space<hbm>> -> memref<10000x128xf32, #tpu.memory_space<hbm>>
      tpu.wait_indirect_dma semaphore(%arg23 : memref<!tpu.dma_semaphore, #tpu.memory_space<semaphore_mem>>) src(%dma_wait3A_109 : memref<10000x128xf32, #tpu.memory_space<hbm>>) dst(%arg18 : memref<80x128xf32, #tpu.memory_space<vmem>>)
      "tpu.region"() ({
        %run_scoped3A = tpu.sem_alloc : memref<!tpu.dma_semaphore, #tpu.memory_space<semaphore_mem>>
        %dma_start3A_143 = arith.constant 0 : i32
        %dma_start3A_144 = arith.constant 0 : i32
        %dma_start3A_145 = tpu.memref_slice %arg7[%dma_start3A_143, %dma_start3A_144] : memref<10240x128xf32, #tpu.memory_space<vmem_shared>> -> memref<10240x128xf32, #tpu.memory_space<vmem_shared>>
        tpu.enqueue_indirect_dma source(%arg18 : memref<80x128xf32, #tpu.memory_space<vmem>>) target(%dma_start3A_145 : memref<10240x128xf32, #tpu.memory_space<vmem_shared>>) offsets(%arg14 : memref<80xi32, #tpu.memory_space<vmem>>) semaphore(%run_scoped3A : memref<!tpu.dma_semaphore, #tpu.memory_space<semaphore_mem>>) {add = true}
        %dma_wait3A_146 = arith.constant 0 : i32
        %dma_wait3A_147 = arith.constant 0 : i32
        %dma_wait3A_148 = tpu.memref_slice %arg7[%dma_wait3A_146, %dma_wait3A_147] : memref<10240x128xf32, #tpu.memory_space<vmem_shared>> -> memref<10240x128xf32, #tpu.memory_space<vmem_shared>>
        tpu.wait_indirect_dma semaphore(%run_scoped3A : memref<!tpu.dma_semaphore, #tpu.memory_space<semaphore_mem>>) src(%arg18 : memref<80x128xf32, #tpu.memory_space<vmem>>) dst(%dma_wait3A_148 : memref<10240x128xf32, #tpu.memory_space<vmem_shared>>)
        tpu.yield
      }) : () -> ()
      %add3A_110 = arith.constant 4 : i32
      %add3A_111 = arith.addi %add3A_106, %add3A_110 : i32
      %mul3A_112 = arith.constant 80 : i32
      %mul3A_113 = arith.muli %add3A_111, %mul3A_112 : i32
      %add3A_114 = arith.addi %mul3A_2, %mul3A_113 : i32
      "tpu.region"() ({
        %run_scoped3A = tpu.sem_alloc : memref<!tpu.dma_semaphore, #tpu.memory_space<semaphore_mem>>
        %dma_start3A_143 = tpu.memref_slice %arg3[%add3A_114] : memref<327680xi32, #tpu.memory_space<hbm>> -> memref<80xi32, #tpu.memory_space<hbm>>
        %dma_start3A_144 = tpu.memref_slice %arg3[%add3A_114] : memref<327680xi32, #tpu.memory_space<hbm>> -> memref<80xi32, #tpu.memory_space<hbm>>
        tpu.enqueue_dma source(%dma_start3A_144 : memref<80xi32, #tpu.memory_space<hbm>>) target(%arg10 : memref<80xi32, #tpu.memory_space<vmem>>) target_semaphore(%run_scoped3A : memref<!tpu.dma_semaphore, #tpu.memory_space<semaphore_mem>>)
        %dma_wait3A_145 = tpu.memref_slice %arg3[%add3A_114] : memref<327680xi32, #tpu.memory_space<hbm>> -> memref<80xi32, #tpu.memory_space<hbm>>
        %dma_wait3A_146 = tpu.memref_slice %arg3[%add3A_114] : memref<327680xi32, #tpu.memory_space<hbm>> -> memref<80xi32, #tpu.memory_space<hbm>>
        tpu.wait_dma2 semaphore(%run_scoped3A : memref<!tpu.dma_semaphore, #tpu.memory_space<semaphore_mem>>) src(%dma_wait3A_146 : memref<80xi32, #tpu.memory_space<hbm>>) dst(%arg10 : memref<80xi32, #tpu.memory_space<vmem>>)
        tpu.yield
      }) : () -> ()
      %add3A_115 = arith.constant 4 : i32
      %add3A_116 = arith.addi %add3A_106, %add3A_115 : i32
      %mul3A_117 = arith.constant 80 : i32
      %mul3A_118 = arith.muli %add3A_116, %mul3A_117 : i32
      %add3A_119 = arith.addi %mul3A_2, %mul3A_118 : i32
      "tpu.region"() ({
        %run_scoped3A = tpu.sem_alloc : memref<!tpu.dma_semaphore, #tpu.memory_space<semaphore_mem>>
        %dma_start3A_143 = tpu.memref_slice %arg4[%add3A_119] : memref<327680xi32, #tpu.memory_space<hbm>> -> memref<80xi32, #tpu.memory_space<hbm>>
        %dma_start3A_144 = tpu.memref_slice %arg4[%add3A_119] : memref<327680xi32, #tpu.memory_space<hbm>> -> memref<80xi32, #tpu.memory_space<hbm>>
        tpu.enqueue_dma source(%dma_start3A_144 : memref<80xi32, #tpu.memory_space<hbm>>) target(%arg14 : memref<80xi32, #tpu.memory_space<vmem>>) target_semaphore(%run_scoped3A : memref<!tpu.dma_semaphore, #tpu.memory_space<semaphore_mem>>)
        %dma_wait3A_145 = tpu.memref_slice %arg4[%add3A_119] : memref<327680xi32, #tpu.memory_space<hbm>> -> memref<80xi32, #tpu.memory_space<hbm>>
        %dma_wait3A_146 = tpu.memref_slice %arg4[%add3A_119] : memref<327680xi32, #tpu.memory_space<hbm>> -> memref<80xi32, #tpu.memory_space<hbm>>
        tpu.wait_dma2 semaphore(%run_scoped3A : memref<!tpu.dma_semaphore, #tpu.memory_space<semaphore_mem>>) src(%dma_wait3A_146 : memref<80xi32, #tpu.memory_space<hbm>>) dst(%arg14 : memref<80xi32, #tpu.memory_space<vmem>>)
        tpu.yield
      }) : () -> ()
      %dma_start3A_120 = arith.constant 0 : i32
      %dma_start3A_121 = arith.constant 0 : i32
      %dma_start3A_122 = tpu.memref_slice %arg2[%dma_start3A_120, %dma_start3A_121] : memref<10000x128xf32, #tpu.memory_space<hbm>> -> memref<10000x128xf32, #tpu.memory_space<hbm>>
      tpu.enqueue_indirect_dma source(%dma_start3A_122 : memref<10000x128xf32, #tpu.memory_space<hbm>>) target(%arg18 : memref<80x128xf32, #tpu.memory_space<vmem>>) offsets(%arg10 : memref<80xi32, #tpu.memory_space<vmem>>) semaphore(%arg23 : memref<!tpu.dma_semaphore, #tpu.memory_space<semaphore_mem>>)
      %mul3A_123 = arith.constant 4 : i32
      %mul3A_124 = arith.muli %add3A_62, %mul3A_123 : i32
      %add3A_125 = arith.constant 3 : i32
      %add3A_126 = arith.addi %mul3A_124, %add3A_125 : i32
      %dma_wait3A_127 = arith.constant 0 : i32
      %dma_wait3A_128 = arith.constant 0 : i32
      %dma_wait3A_129 = tpu.memref_slice %arg2[%dma_wait3A_127, %dma_wait3A_128] : memref<10000x128xf32, #tpu.memory_space<hbm>> -> memref<10000x128xf32, #tpu.memory_space<hbm>>
      tpu.wait_indirect_dma semaphore(%arg24 : memref<!tpu.dma_semaphore, #tpu.memory_space<semaphore_mem>>) src(%dma_wait3A_129 : memref<10000x128xf32, #tpu.memory_space<hbm>>) dst(%arg19 : memref<80x128xf32, #tpu.memory_space<vmem>>)
      "tpu.region"() ({
        %run_scoped3A = tpu.sem_alloc : memref<!tpu.dma_semaphore, #tpu.memory_space<semaphore_mem>>
        %dma_start3A_143 = arith.constant 0 : i32
        %dma_start3A_144 = arith.constant 0 : i32
        %dma_start3A_145 = tpu.memref_slice %arg7[%dma_start3A_143, %dma_start3A_144] : memref<10240x128xf32, #tpu.memory_space<vmem_shared>> -> memref<10240x128xf32, #tpu.memory_space<vmem_shared>>
        tpu.enqueue_indirect_dma source(%arg19 : memref<80x128xf32, #tpu.memory_space<vmem>>) target(%dma_start3A_145 : memref<10240x128xf32, #tpu.memory_space<vmem_shared>>) offsets(%arg15 : memref<80xi32, #tpu.memory_space<vmem>>) semaphore(%run_scoped3A : memref<!tpu.dma_semaphore, #tpu.memory_space<semaphore_mem>>) {add = true}
        %dma_wait3A_146 = arith.constant 0 : i32
        %dma_wait3A_147 = arith.constant 0 : i32
        %dma_wait3A_148 = tpu.memref_slice %arg7[%dma_wait3A_146, %dma_wait3A_147] : memref<10240x128xf32, #tpu.memory_space<vmem_shared>> -> memref<10240x128xf32, #tpu.memory_space<vmem_shared>>
        tpu.wait_indirect_dma semaphore(%run_scoped3A : memref<!tpu.dma_semaphore, #tpu.memory_space<semaphore_mem>>) src(%arg19 : memref<80x128xf32, #tpu.memory_space<vmem>>) dst(%dma_wait3A_148 : memref<10240x128xf32, #tpu.memory_space<vmem_shared>>)
        tpu.yield
      }) : () -> ()
      %add3A_130 = arith.constant 4 : i32
      %add3A_131 = arith.addi %add3A_126, %add3A_130 : i32
      %mul3A_132 = arith.constant 80 : i32
      %mul3A_133 = arith.muli %add3A_131, %mul3A_132 : i32
      %add3A_134 = arith.addi %mul3A_2, %mul3A_133 : i32
      "tpu.region"() ({
        %run_scoped3A = tpu.sem_alloc : memref<!tpu.dma_semaphore, #tpu.memory_space<semaphore_mem>>
        %dma_start3A_143 = tpu.memref_slice %arg3[%add3A_134] : memref<327680xi32, #tpu.memory_space<hbm>> -> memref<80xi32, #tpu.memory_space<hbm>>
        %dma_start3A_144 = tpu.memref_slice %arg3[%add3A_134] : memref<327680xi32, #tpu.memory_space<hbm>> -> memref<80xi32, #tpu.memory_space<hbm>>
        tpu.enqueue_dma source(%dma_start3A_144 : memref<80xi32, #tpu.memory_space<hbm>>) target(%arg11 : memref<80xi32, #tpu.memory_space<vmem>>) target_semaphore(%run_scoped3A : memref<!tpu.dma_semaphore, #tpu.memory_space<semaphore_mem>>)
        %dma_wait3A_145 = tpu.memref_slice %arg3[%add3A_134] : memref<327680xi32, #tpu.memory_space<hbm>> -> memref<80xi32, #tpu.memory_space<hbm>>
        %dma_wait3A_146 = tpu.memref_slice %arg3[%add3A_134] : memref<327680xi32, #tpu.memory_space<hbm>> -> memref<80xi32, #tpu.memory_space<hbm>>
        tpu.wait_dma2 semaphore(%run_scoped3A : memref<!tpu.dma_semaphore, #tpu.memory_space<semaphore_mem>>) src(%dma_wait3A_146 : memref<80xi32, #tpu.memory_space<hbm>>) dst(%arg11 : memref<80xi32, #tpu.memory_space<vmem>>)
        tpu.yield
      }) : () -> ()
      %add3A_135 = arith.constant 4 : i32
      %add3A_136 = arith.addi %add3A_126, %add3A_135 : i32
      %mul3A_137 = arith.constant 80 : i32
      %mul3A_138 = arith.muli %add3A_136, %mul3A_137 : i32
      %add3A_139 = arith.addi %mul3A_2, %mul3A_138 : i32
      "tpu.region"() ({
        %run_scoped3A = tpu.sem_alloc : memref<!tpu.dma_semaphore, #tpu.memory_space<semaphore_mem>>
        %dma_start3A_143 = tpu.memref_slice %arg4[%add3A_139] : memref<327680xi32, #tpu.memory_space<hbm>> -> memref<80xi32, #tpu.memory_space<hbm>>
        %dma_start3A_144 = tpu.memref_slice %arg4[%add3A_139] : memref<327680xi32, #tpu.memory_space<hbm>> -> memref<80xi32, #tpu.memory_space<hbm>>
        tpu.enqueue_dma source(%dma_start3A_144 : memref<80xi32, #tpu.memory_space<hbm>>) target(%arg15 : memref<80xi32, #tpu.memory_space<vmem>>) target_semaphore(%run_scoped3A : memref<!tpu.dma_semaphore, #tpu.memory_space<semaphore_mem>>)
        %dma_wait3A_145 = tpu.memref_slice %arg4[%add3A_139] : memref<327680xi32, #tpu.memory_space<hbm>> -> memref<80xi32, #tpu.memory_space<hbm>>
        %dma_wait3A_146 = tpu.memref_slice %arg4[%add3A_139] : memref<327680xi32, #tpu.memory_space<hbm>> -> memref<80xi32, #tpu.memory_space<hbm>>
        tpu.wait_dma2 semaphore(%run_scoped3A : memref<!tpu.dma_semaphore, #tpu.memory_space<semaphore_mem>>) src(%dma_wait3A_146 : memref<80xi32, #tpu.memory_space<hbm>>) dst(%arg15 : memref<80xi32, #tpu.memory_space<vmem>>)
        tpu.yield
      }) : () -> ()
      %dma_start3A_140 = arith.constant 0 : i32
      %dma_start3A_141 = arith.constant 0 : i32
      %dma_start3A_142 = tpu.memref_slice %arg2[%dma_start3A_140, %dma_start3A_141] : memref<10000x128xf32, #tpu.memory_space<hbm>> -> memref<10000x128xf32, #tpu.memory_space<hbm>>
      tpu.enqueue_indirect_dma source(%dma_start3A_142 : memref<10000x128xf32, #tpu.memory_space<hbm>>) target(%arg19 : memref<80x128xf32, #tpu.memory_space<vmem>>) offsets(%arg11 : memref<80xi32, #tpu.memory_space<vmem>>) semaphore(%arg24 : memref<!tpu.dma_semaphore, #tpu.memory_space<semaphore_mem>>)
    }
    %scan3A_38 = arith.constant 31 : i32
    %dma_wait3A = arith.constant 0 : i32
    %dma_wait3A_39 = arith.constant 0 : i32
    %dma_wait3A_40 = tpu.memref_slice %arg2[%dma_wait3A, %dma_wait3A_39] : memref<10000x128xf32, #tpu.memory_space<hbm>> -> memref<10000x128xf32, #tpu.memory_space<hbm>>
    tpu.wait_indirect_dma semaphore(%arg21 : memref<!tpu.dma_semaphore, #tpu.memory_space<semaphore_mem>>) src(%dma_wait3A_40 : memref<10000x128xf32, #tpu.memory_space<hbm>>) dst(%arg16 : memref<80x128xf32, #tpu.memory_space<vmem>>)
    "tpu.region"() ({
      %run_scoped3A = tpu.sem_alloc : memref<!tpu.dma_semaphore, #tpu.memory_space<semaphore_mem>>
      %dma_start3A_58 = arith.constant 0 : i32
      %dma_start3A_59 = arith.constant 0 : i32
      %dma_start3A_60 = tpu.memref_slice %arg7[%dma_start3A_58, %dma_start3A_59] : memref<10240x128xf32, #tpu.memory_space<vmem_shared>> -> memref<10240x128xf32, #tpu.memory_space<vmem_shared>>
      tpu.enqueue_indirect_dma source(%arg16 : memref<80x128xf32, #tpu.memory_space<vmem>>) target(%dma_start3A_60 : memref<10240x128xf32, #tpu.memory_space<vmem_shared>>) offsets(%arg12 : memref<80xi32, #tpu.memory_space<vmem>>) semaphore(%run_scoped3A : memref<!tpu.dma_semaphore, #tpu.memory_space<semaphore_mem>>) {add = true}
      %dma_wait3A_61 = arith.constant 0 : i32
      %dma_wait3A_62 = arith.constant 0 : i32
      %dma_wait3A_63 = tpu.memref_slice %arg7[%dma_wait3A_61, %dma_wait3A_62] : memref<10240x128xf32, #tpu.memory_space<vmem_shared>> -> memref<10240x128xf32, #tpu.memory_space<vmem_shared>>
      tpu.wait_indirect_dma semaphore(%run_scoped3A : memref<!tpu.dma_semaphore, #tpu.memory_space<semaphore_mem>>) src(%arg16 : memref<80x128xf32, #tpu.memory_space<vmem>>) dst(%dma_wait3A_63 : memref<10240x128xf32, #tpu.memory_space<vmem_shared>>)
      tpu.yield
    }) : () -> ()
    %dma_wait3A_41 = arith.constant 0 : i32
    %dma_wait3A_42 = arith.constant 0 : i32
    %dma_wait3A_43 = tpu.memref_slice %arg2[%dma_wait3A_41, %dma_wait3A_42] : memref<10000x128xf32, #tpu.memory_space<hbm>> -> memref<10000x128xf32, #tpu.memory_space<hbm>>
    tpu.wait_indirect_dma semaphore(%arg22 : memref<!tpu.dma_semaphore, #tpu.memory_space<semaphore_mem>>) src(%dma_wait3A_43 : memref<10000x128xf32, #tpu.memory_space<hbm>>) dst(%arg17 : memref<80x128xf32, #tpu.memory_space<vmem>>)
    "tpu.region"() ({
      %run_scoped3A = tpu.sem_alloc : memref<!tpu.dma_semaphore, #tpu.memory_space<semaphore_mem>>
      %dma_start3A_58 = arith.constant 0 : i32
      %dma_start3A_59 = arith.constant 0 : i32
      %dma_start3A_60 = tpu.memref_slice %arg7[%dma_start3A_58, %dma_start3A_59] : memref<10240x128xf32, #tpu.memory_space<vmem_shared>> -> memref<10240x128xf32, #tpu.memory_space<vmem_shared>>
      tpu.enqueue_indirect_dma source(%arg17 : memref<80x128xf32, #tpu.memory_space<vmem>>) target(%dma_start3A_60 : memref<10240x128xf32, #tpu.memory_space<vmem_shared>>) offsets(%arg13 : memref<80xi32, #tpu.memory_space<vmem>>) semaphore(%run_scoped3A : memref<!tpu.dma_semaphore, #tpu.memory_space<semaphore_mem>>) {add = true}
      %dma_wait3A_61 = arith.constant 0 : i32
      %dma_wait3A_62 = arith.constant 0 : i32
      %dma_wait3A_63 = tpu.memref_slice %arg7[%dma_wait3A_61, %dma_wait3A_62] : memref<10240x128xf32, #tpu.memory_space<vmem_shared>> -> memref<10240x128xf32, #tpu.memory_space<vmem_shared>>
      tpu.wait_indirect_dma semaphore(%run_scoped3A : memref<!tpu.dma_semaphore, #tpu.memory_space<semaphore_mem>>) src(%arg17 : memref<80x128xf32, #tpu.memory_space<vmem>>) dst(%dma_wait3A_63 : memref<10240x128xf32, #tpu.memory_space<vmem_shared>>)
      tpu.yield
    }) : () -> ()
    %dma_wait3A_44 = arith.constant 0 : i32
    %dma_wait3A_45 = arith.constant 0 : i32
    %dma_wait3A_46 = tpu.memref_slice %arg2[%dma_wait3A_44, %dma_wait3A_45] : memref<10000x128xf32, #tpu.memory_space<hbm>> -> memref<10000x128xf32, #tpu.memory_space<hbm>>
    tpu.wait_indirect_dma semaphore(%arg23 : memref<!tpu.dma_semaphore, #tpu.memory_space<semaphore_mem>>) src(%dma_wait3A_46 : memref<10000x128xf32, #tpu.memory_space<hbm>>) dst(%arg18 : memref<80x128xf32, #tpu.memory_space<vmem>>)
    "tpu.region"() ({
      %run_scoped3A = tpu.sem_alloc : memref<!tpu.dma_semaphore, #tpu.memory_space<semaphore_mem>>
      %dma_start3A_58 = arith.constant 0 : i32
      %dma_start3A_59 = arith.constant 0 : i32
      %dma_start3A_60 = tpu.memref_slice %arg7[%dma_start3A_58, %dma_start3A_59] : memref<10240x128xf32, #tpu.memory_space<vmem_shared>> -> memref<10240x128xf32, #tpu.memory_space<vmem_shared>>
      tpu.enqueue_indirect_dma source(%arg18 : memref<80x128xf32, #tpu.memory_space<vmem>>) target(%dma_start3A_60 : memref<10240x128xf32, #tpu.memory_space<vmem_shared>>) offsets(%arg14 : memref<80xi32, #tpu.memory_space<vmem>>) semaphore(%run_scoped3A : memref<!tpu.dma_semaphore, #tpu.memory_space<semaphore_mem>>) {add = true}
      %dma_wait3A_61 = arith.constant 0 : i32
      %dma_wait3A_62 = arith.constant 0 : i32
      %dma_wait3A_63 = tpu.memref_slice %arg7[%dma_wait3A_61, %dma_wait3A_62] : memref<10240x128xf32, #tpu.memory_space<vmem_shared>> -> memref<10240x128xf32, #tpu.memory_space<vmem_shared>>
      tpu.wait_indirect_dma semaphore(%run_scoped3A : memref<!tpu.dma_semaphore, #tpu.memory_space<semaphore_mem>>) src(%arg18 : memref<80x128xf32, #tpu.memory_space<vmem>>) dst(%dma_wait3A_63 : memref<10240x128xf32, #tpu.memory_space<vmem_shared>>)
      tpu.yield
    }) : () -> ()
    %dma_wait3A_47 = arith.constant 0 : i32
    %dma_wait3A_48 = arith.constant 0 : i32
    %dma_wait3A_49 = tpu.memref_slice %arg2[%dma_wait3A_47, %dma_wait3A_48] : memref<10000x128xf32, #tpu.memory_space<hbm>> -> memref<10000x128xf32, #tpu.memory_space<hbm>>
    tpu.wait_indirect_dma semaphore(%arg24 : memref<!tpu.dma_semaphore, #tpu.memory_space<semaphore_mem>>) src(%dma_wait3A_49 : memref<10000x128xf32, #tpu.memory_space<hbm>>) dst(%arg19 : memref<80x128xf32, #tpu.memory_space<vmem>>)
    "tpu.region"() ({
      %run_scoped3A = tpu.sem_alloc : memref<!tpu.dma_semaphore, #tpu.memory_space<semaphore_mem>>
      %dma_start3A_58 = arith.constant 0 : i32
      %dma_start3A_59 = arith.constant 0 : i32
      %dma_start3A_60 = tpu.memref_slice %arg7[%dma_start3A_58, %dma_start3A_59] : memref<10240x128xf32, #tpu.memory_space<vmem_shared>> -> memref<10240x128xf32, #tpu.memory_space<vmem_shared>>
      tpu.enqueue_indirect_dma source(%arg19 : memref<80x128xf32, #tpu.memory_space<vmem>>) target(%dma_start3A_60 : memref<10240x128xf32, #tpu.memory_space<vmem_shared>>) offsets(%arg15 : memref<80xi32, #tpu.memory_space<vmem>>) semaphore(%run_scoped3A : memref<!tpu.dma_semaphore, #tpu.memory_space<semaphore_mem>>) {add = true}
      %dma_wait3A_61 = arith.constant 0 : i32
      %dma_wait3A_62 = arith.constant 0 : i32
      %dma_wait3A_63 = tpu.memref_slice %arg7[%dma_wait3A_61, %dma_wait3A_62] : memref<10240x128xf32, #tpu.memory_space<vmem_shared>> -> memref<10240x128xf32, #tpu.memory_space<vmem_shared>>
      tpu.wait_indirect_dma semaphore(%run_scoped3A : memref<!tpu.dma_semaphore, #tpu.memory_space<semaphore_mem>>) src(%arg19 : memref<80x128xf32, #tpu.memory_space<vmem>>) dst(%dma_wait3A_63 : memref<10240x128xf32, #tpu.memory_space<vmem_shared>>)
      tpu.yield
    }) : () -> ()
    %barrier3A_50 = arith.constant 0 : index
    tpu.barrier barrier_id(%barrier3A_50)
    %mul3A_51 = arith.constant 640 : i32
    %mul3A_52 = arith.muli %arg1, %mul3A_51 : i32
    %mul3A_53 = arith.constant 10240 : i32
    %mul3A_54 = arith.muli %arg0, %mul3A_53 : i32
    %mul3A_55 = arith.constant 640 : i32
    %mul3A_56 = arith.muli %arg1, %mul3A_55 : i32
    %add3A_57 = arith.addi %mul3A_54, %mul3A_56 : i32
    "tpu.region"() ({
      %run_scoped3A = tpu.sem_alloc : memref<!tpu.dma_semaphore, #tpu.memory_space<semaphore_mem>>
      %dma_start3A_58 = arith.constant 0 : i32
      %dma_start3A_59 = tpu.memref_slice %arg6[%add3A_57, %dma_start3A_58] : memref<20480x128xf32, #tpu.memory_space<hbm>> -> memref<640x128xf32, #tpu.memory_space<hbm>>
      %dma_start3A_60 = arith.constant 0 : i32
      %dma_start3A_61 = tpu.memref_slice %arg7[%mul3A_52, %dma_start3A_60] : memref<10240x128xf32, #tpu.memory_space<vmem_shared>> -> memref<640x128xf32, #tpu.memory_space<vmem_shared>>
      tpu.enqueue_dma source(%dma_start3A_61 : memref<640x128xf32, #tpu.memory_space<vmem_shared>>) target(%dma_start3A_59 : memref<640x128xf32, #tpu.memory_space<hbm>>) target_semaphore(%run_scoped3A : memref<!tpu.dma_semaphore, #tpu.memory_space<semaphore_mem>>)
      %dma_wait3A_62 = arith.constant 0 : i32
      %dma_wait3A_63 = tpu.memref_slice %arg6[%add3A_57, %dma_wait3A_62] : memref<20480x128xf32, #tpu.memory_space<hbm>> -> memref<640x128xf32, #tpu.memory_space<hbm>>
      %dma_wait3A_64 = arith.constant 0 : i32
      %dma_wait3A_65 = tpu.memref_slice %arg7[%mul3A_52, %dma_wait3A_64] : memref<10240x128xf32, #tpu.memory_space<vmem_shared>> -> memref<640x128xf32, #tpu.memory_space<vmem_shared>>
      tpu.wait_dma2 semaphore(%run_scoped3A : memref<!tpu.dma_semaphore, #tpu.memory_space<semaphore_mem>>) src(%dma_wait3A_65 : memref<640x128xf32, #tpu.memory_space<vmem_shared>>) dst(%dma_wait3A_63 : memref<640x128xf32, #tpu.memory_space<hbm>>)
      tpu.yield
    }) : () -> ()
    return
  }
}

#map = affine_map<(d0, d1) -> (0)>
module attributes {stable_mosaic.version = 14 : i64} {
  func.func @_deg_kernel(%arg0: i32, %arg1: i32, %arg2: memref<327680xi32, #tpu.memory_space<hbm>>, %arg3: memref<20480xf32, #tpu.memory_space<hbm>>, %arg4: memref<10240xf32, #tpu.memory_space<vmem>>, %arg5: memref<10240xi32, #tpu.memory_space<vmem>>, %arg6: memref<16x10240xf32, #tpu.memory_space<vmem_shared>>, %arg7: memref<640xf32, #tpu.memory_space<vmem>>, %arg8: memref<640xf32, #tpu.memory_space<vmem>>) attributes {dimension_semantics = [#tpu.dimension_semantics<core_parallel>, #tpu.dimension_semantics<subcore_parallel>], iteration_bounds = array<i64: 2, 16>, scalar_prefetch = 0 : i64, scratch_operands = 5 : i64, tpu.core_type = #tpu.core_type<sc_vector_subcore>, window_params = [{transform_indices = #map}, {transform_indices = #map}]} {
    %mul3A = arith.constant 16 : i32
    %mul3A_0 = arith.muli %arg0, %mul3A : i32
    %add3A = arith.addi %mul3A_0, %arg1 : i32
    %mul3A_1 = arith.constant 10240 : i32
    %mul3A_2 = arith.muli %add3A, %mul3A_1 : i32
    "tpu.region"() ({
      %run_scoped3A_27 = tpu.sem_alloc : memref<!tpu.dma_semaphore, #tpu.memory_space<semaphore_mem>>
      %dma_start3A = tpu.memref_slice %arg2[%mul3A_2] : memref<327680xi32, #tpu.memory_space<hbm>> -> memref<10240xi32, #tpu.memory_space<hbm>>
      %dma_start3A_28 = tpu.memref_slice %arg2[%mul3A_2] : memref<327680xi32, #tpu.memory_space<hbm>> -> memref<10240xi32, #tpu.memory_space<hbm>>
      tpu.enqueue_dma source(%dma_start3A_28 : memref<10240xi32, #tpu.memory_space<hbm>>) target(%arg5 : memref<10240xi32, #tpu.memory_space<vmem>>) target_semaphore(%run_scoped3A_27 : memref<!tpu.dma_semaphore, #tpu.memory_space<semaphore_mem>>)
      %dma_wait3A = tpu.memref_slice %arg2[%mul3A_2] : memref<327680xi32, #tpu.memory_space<hbm>> -> memref<10240xi32, #tpu.memory_space<hbm>>
      %dma_wait3A_29 = tpu.memref_slice %arg2[%mul3A_2] : memref<327680xi32, #tpu.memory_space<hbm>> -> memref<10240xi32, #tpu.memory_space<hbm>>
      tpu.wait_dma2 semaphore(%run_scoped3A_27 : memref<!tpu.dma_semaphore, #tpu.memory_space<semaphore_mem>>) src(%dma_wait3A_29 : memref<10240xi32, #tpu.memory_space<hbm>>) dst(%arg5 : memref<10240xi32, #tpu.memory_space<vmem>>)
      tpu.yield
    }) : () -> ()
    %broadcast_in_dim3A = arith.constant 0.000000e+00 : f32
    %broadcast_in_dim3A_3 = vector.broadcast %broadcast_in_dim3A : f32 to vector<16xf32>
    %broadcast_in_dim3A_4 = arith.constant 1.000000e+00 : f32
    %broadcast_in_dim3A_5 = vector.broadcast %broadcast_in_dim3A_4 : f32 to vector<16xf32>
    %scan3A = arith.constant 0 : i32
    %scan3A_6 = arith.constant 640 : i32
    %scan3A_7 = arith.addi %scan3A, %scan3A_6 : i32
    %scan3A_8 = arith.constant 1 : i32
    scf.for %scan3A_27 = %scan3A to %scan3A_7 step %scan3A_8  : i32 {
      %mul3A_28 = arith.constant 1 : i32
      %mul3A_29 = arith.muli %scan3A_27, %mul3A_28 : i32
      %add3A_30 = arith.constant 0 : i32
      %add3A_31 = arith.addi %add3A_30, %mul3A_29 : i32
      %mul3A_32 = arith.constant 16 : i32
      %mul3A_33 = arith.muli %add3A_31, %mul3A_32 : i32
      %swap3A = arith.index_cast %mul3A_33 : i32 to index
      %swap3A_34 = tpu.vector_load %arg4[%swap3A] {strides = array<i32>} : memref<10240xf32, #tpu.memory_space<vmem>>, vector<16xf32>,
      tpu.vector_store %arg4[%swap3A], %broadcast_in_dim3A_3 {strides = array<i32>} : memref<10240xf32, #tpu.memory_space<vmem>>, vector<16xf32>,
    }
    %scan3A_9 = arith.constant 640 : i32
    %scan3A_10 = arith.constant 0 : i32
    %scan3A_11 = arith.constant 640 : i32
    %scan3A_12 = arith.addi %scan3A_10, %scan3A_11 : i32
    %scan3A_13 = arith.constant 1 : i32
    scf.for %scan3A_27 = %scan3A_10 to %scan3A_12 step %scan3A_13  : i32 {
      %mul3A_28 = arith.constant 1 : i32
      %mul3A_29 = arith.muli %scan3A_27, %mul3A_28 : i32
      %add3A_30 = arith.constant 0 : i32
      %add3A_31 = arith.addi %add3A_30, %mul3A_29 : i32
      %mul3A_32 = arith.constant 16 : i32
      %mul3A_33 = arith.muli %add3A_31, %mul3A_32 : i32
      %get3A = arith.index_cast %mul3A_33 : i32 to index
      %get3A_34 = tpu.vector_load %arg5[%get3A] {strides = array<i32>} : memref<10240xi32, #tpu.memory_space<vmem>>, vector<16xi32>,
      tpu.vector_store_idx %arg4[%get3A_34], %broadcast_in_dim3A_5 {add = true} : memref<10240xf32, #tpu.memory_space<vmem>>[vector<16xi32>], vector<16xf32>,
    }
    %scan3A_14 = arith.constant 640 : i32
    "tpu.region"() ({
      %run_scoped3A_27 = tpu.sem_alloc : memref<!tpu.dma_semaphore, #tpu.memory_space<semaphore_mem>>
      %dma_start3A = arith.constant 0 : i32
      %dma_start3A_28 = tpu.memref_slice %arg6[%arg1, %dma_start3A] : memref<16x10240xf32, #tpu.memory_space<vmem_shared>> -> memref<1x10240xf32, #tpu.memory_space<vmem_shared>>
      %dma_start3A_29 = tpu.memref_squeeze %dma_start3A_28 : memref<1x10240xf32, #tpu.memory_space<vmem_shared>> -> memref<10240xf32, #tpu.memory_space<vmem_shared>>
      %dma_start3A_30 = arith.constant 0 : i32
      %dma_start3A_31 = tpu.memref_slice %arg6[%arg1, %dma_start3A_30] : memref<16x10240xf32, #tpu.memory_space<vmem_shared>> -> memref<1x10240xf32, #tpu.memory_space<vmem_shared>>
      %dma_start3A_32 = tpu.memref_squeeze %dma_start3A_31 : memref<1x10240xf32, #tpu.memory_space<vmem_shared>> -> memref<10240xf32, #tpu.memory_space<vmem_shared>>
      tpu.enqueue_dma source(%arg4 : memref<10240xf32, #tpu.memory_space<vmem>>) target(%dma_start3A_32 : memref<10240xf32, #tpu.memory_space<vmem_shared>>) target_semaphore(%run_scoped3A_27 : memref<!tpu.dma_semaphore, #tpu.memory_space<semaphore_mem>>)
      %dma_wait3A = arith.constant 0 : i32
      %dma_wait3A_33 = tpu.memref_slice %arg6[%arg1, %dma_wait3A] : memref<16x10240xf32, #tpu.memory_space<vmem_shared>> -> memref<1x10240xf32, #tpu.memory_space<vmem_shared>>
      %dma_wait3A_34 = tpu.memref_squeeze %dma_wait3A_33 : memref<1x10240xf32, #tpu.memory_space<vmem_shared>> -> memref<10240xf32, #tpu.memory_space<vmem_shared>>
      %dma_wait3A_35 = arith.constant 0 : i32
      %dma_wait3A_36 = tpu.memref_slice %arg6[%arg1, %dma_wait3A_35] : memref<16x10240xf32, #tpu.memory_space<vmem_shared>> -> memref<1x10240xf32, #tpu.memory_space<vmem_shared>>
      %dma_wait3A_37 = tpu.memref_squeeze %dma_wait3A_36 : memref<1x10240xf32, #tpu.memory_space<vmem_shared>> -> memref<10240xf32, #tpu.memory_space<vmem_shared>>
      tpu.wait_dma2 semaphore(%run_scoped3A_27 : memref<!tpu.dma_semaphore, #tpu.memory_space<semaphore_mem>>) src(%arg4 : memref<10240xf32, #tpu.memory_space<vmem>>) dst(%dma_wait3A_37 : memref<10240xf32, #tpu.memory_space<vmem_shared>>)
      tpu.yield
    }) : () -> ()
    %barrier3A = arith.constant 0 : index
    tpu.barrier barrier_id(%barrier3A)
    %mul3A_15 = arith.constant 640 : i32
    %mul3A_16 = arith.muli %arg1, %mul3A_15 : i32
    %run_scoped3A = arith.constant 0 : i32
    "tpu.region"() ({
      %run_scoped3A_27 = tpu.sem_alloc : memref<!tpu.dma_semaphore, #tpu.memory_space<semaphore_mem>>
      %dma_start3A = tpu.memref_slice %arg6[%run_scoped3A, %mul3A_16] : memref<16x10240xf32, #tpu.memory_space<vmem_shared>> -> memref<1x640xf32, #tpu.memory_space<vmem_shared>>
      %dma_start3A_28 = tpu.memref_squeeze %dma_start3A : memref<1x640xf32, #tpu.memory_space<vmem_shared>> -> memref<640xf32, #tpu.memory_space<vmem_shared>>
      %dma_start3A_29 = tpu.memref_slice %arg6[%run_scoped3A, %mul3A_16] : memref<16x10240xf32, #tpu.memory_space<vmem_shared>> -> memref<1x640xf32, #tpu.memory_space<vmem_shared>>
      %dma_start3A_30 = tpu.memref_squeeze %dma_start3A_29 : memref<1x640xf32, #tpu.memory_space<vmem_shared>> -> memref<640xf32, #tpu.memory_space<vmem_shared>>
      tpu.enqueue_dma source(%dma_start3A_30 : memref<640xf32, #tpu.memory_space<vmem_shared>>) target(%arg8 : memref<640xf32, #tpu.memory_space<vmem>>) target_semaphore(%run_scoped3A_27 : memref<!tpu.dma_semaphore, #tpu.memory_space<semaphore_mem>>)
      %dma_wait3A = tpu.memref_slice %arg6[%run_scoped3A, %mul3A_16] : memref<16x10240xf32, #tpu.memory_space<vmem_shared>> -> memref<1x640xf32, #tpu.memory_space<vmem_shared>>
      %dma_wait3A_31 = tpu.memref_squeeze %dma_wait3A : memref<1x640xf32, #tpu.memory_space<vmem_shared>> -> memref<640xf32, #tpu.memory_space<vmem_shared>>
      %dma_wait3A_32 = tpu.memref_slice %arg6[%run_scoped3A, %mul3A_16] : memref<16x10240xf32, #tpu.memory_space<vmem_shared>> -> memref<1x640xf32, #tpu.memory_space<vmem_shared>>
      %dma_wait3A_33 = tpu.memref_squeeze %dma_wait3A_32 : memref<1x640xf32, #tpu.memory_space<vmem_shared>> -> memref<640xf32, #tpu.memory_space<vmem_shared>>
      tpu.wait_dma2 semaphore(%run_scoped3A_27 : memref<!tpu.dma_semaphore, #tpu.memory_space<semaphore_mem>>) src(%dma_wait3A_33 : memref<640xf32, #tpu.memory_space<vmem_shared>>) dst(%arg8 : memref<640xf32, #tpu.memory_space<vmem>>)
      tpu.yield
    }) : () -> ()
    %scan3A_17 = arith.constant 0 : i32
    %scan3A_18 = arith.constant 15 : i32
    %scan3A_19 = arith.addi %scan3A_17, %scan3A_18 : i32
    %scan3A_20 = arith.constant 1 : i32
    scf.for %scan3A_27 = %scan3A_17 to %scan3A_19 step %scan3A_20  : i32 {
      %mul3A_28 = arith.constant 1 : i32
      %mul3A_29 = arith.muli %scan3A_27, %mul3A_28 : i32
      %add3A_30 = arith.constant 1 : i32
      %add3A_31 = arith.addi %add3A_30, %mul3A_29 : i32
      %mul3A_32 = arith.constant 640 : i32
      %mul3A_33 = arith.muli %arg1, %mul3A_32 : i32
      "tpu.region"() ({
        %run_scoped3A_39 = tpu.sem_alloc : memref<!tpu.dma_semaphore, #tpu.memory_space<semaphore_mem>>
        %dma_start3A = tpu.memref_slice %arg6[%add3A_31, %mul3A_33] : memref<16x10240xf32, #tpu.memory_space<vmem_shared>> -> memref<1x640xf32, #tpu.memory_space<vmem_shared>>
        %dma_start3A_40 = tpu.memref_squeeze %dma_start3A : memref<1x640xf32, #tpu.memory_space<vmem_shared>> -> memref<640xf32, #tpu.memory_space<vmem_shared>>
        %dma_start3A_41 = tpu.memref_slice %arg6[%add3A_31, %mul3A_33] : memref<16x10240xf32, #tpu.memory_space<vmem_shared>> -> memref<1x640xf32, #tpu.memory_space<vmem_shared>>
        %dma_start3A_42 = tpu.memref_squeeze %dma_start3A_41 : memref<1x640xf32, #tpu.memory_space<vmem_shared>> -> memref<640xf32, #tpu.memory_space<vmem_shared>>
        tpu.enqueue_dma source(%dma_start3A_42 : memref<640xf32, #tpu.memory_space<vmem_shared>>) target(%arg7 : memref<640xf32, #tpu.memory_space<vmem>>) target_semaphore(%run_scoped3A_39 : memref<!tpu.dma_semaphore, #tpu.memory_space<semaphore_mem>>)
        %dma_wait3A = tpu.memref_slice %arg6[%add3A_31, %mul3A_33] : memref<16x10240xf32, #tpu.memory_space<vmem_shared>> -> memref<1x640xf32, #tpu.memory_space<vmem_shared>>
        %dma_wait3A_43 = tpu.memref_squeeze %dma_wait3A : memref<1x640xf32, #tpu.memory_space<vmem_shared>> -> memref<640xf32, #tpu.memory_space<vmem_shared>>
        %dma_wait3A_44 = tpu.memref_slice %arg6[%add3A_31, %mul3A_33] : memref<16x10240xf32, #tpu.memory_space<vmem_shared>> -> memref<1x640xf32, #tpu.memory_space<vmem_shared>>
        %dma_wait3A_45 = tpu.memref_squeeze %dma_wait3A_44 : memref<1x640xf32, #tpu.memory_space<vmem_shared>> -> memref<640xf32, #tpu.memory_space<vmem_shared>>
        tpu.wait_dma2 semaphore(%run_scoped3A_39 : memref<!tpu.dma_semaphore, #tpu.memory_space<semaphore_mem>>) src(%dma_wait3A_45 : memref<640xf32, #tpu.memory_space<vmem_shared>>) dst(%arg7 : memref<640xf32, #tpu.memory_space<vmem>>)
        tpu.yield
      }) : () -> ()
      %scan3A_34 = arith.constant 0 : i32
      %scan3A_35 = arith.constant 40 : i32
      %scan3A_36 = arith.addi %scan3A_34, %scan3A_35 : i32
      %scan3A_37 = arith.constant 1 : i32
      scf.for %scan3A_39 = %scan3A_34 to %scan3A_36 step %scan3A_37  : i32 {
        %mul3A_40 = arith.constant 1 : i32
        %mul3A_41 = arith.muli %scan3A_39, %mul3A_40 : i32
        %add3A_42 = arith.constant 0 : i32
        %add3A_43 = arith.addi %add3A_42, %mul3A_41 : i32
        %mul3A_44 = arith.constant 16 : i32
        %mul3A_45 = arith.muli %add3A_43, %mul3A_44 : i32
        %get3A = arith.index_cast %mul3A_45 : i32 to index
        %get3A_46 = tpu.vector_load %arg8[%get3A] {strides = array<i32>} : memref<640xf32, #tpu.memory_space<vmem>>, vector<16xf32>,
        %get3A_47 = arith.index_cast %mul3A_45 : i32 to index
        %get3A_48 = tpu.vector_load %arg7[%get3A_47] {strides = array<i32>} : memref<640xf32, #tpu.memory_space<vmem>>, vector<16xf32>,
        %add3A_49 = arith.addf %get3A_46, %get3A_48 : vector<16xf32>
        %swap3A = arith.index_cast %mul3A_45 : i32 to index
        %swap3A_50 = tpu.vector_load %arg8[%swap3A] {strides = array<i32>} : memref<640xf32, #tpu.memory_space<vmem>>, vector<16xf32>,
        tpu.vector_store %arg8[%swap3A], %add3A_49 {strides = array<i32>} : memref<640xf32, #tpu.memory_space<vmem>>, vector<16xf32>,
      }
      %scan3A_38 = arith.constant 40 : i32
    }
    %scan3A_21 = arith.constant 15 : i32
    %mul3A_22 = arith.constant 10240 : i32
    %mul3A_23 = arith.muli %arg0, %mul3A_22 : i32
    %mul3A_24 = arith.constant 640 : i32
    %mul3A_25 = arith.muli %arg1, %mul3A_24 : i32
    %add3A_26 = arith.addi %mul3A_23, %mul3A_25 : i32
    "tpu.region"() ({
      %run_scoped3A_27 = tpu.sem_alloc : memref<!tpu.dma_semaphore, #tpu.memory_space<semaphore_mem>>
      %dma_start3A = tpu.memref_slice %arg3[%add3A_26] : memref<20480xf32, #tpu.memory_space<hbm>> -> memref<640xf32, #tpu.memory_space<hbm>>
      %dma_start3A_28 = tpu.memref_slice %arg3[%add3A_26] : memref<20480xf32, #tpu.memory_space<hbm>> -> memref<640xf32, #tpu.memory_space<hbm>>
      tpu.enqueue_dma source(%arg8 : memref<640xf32, #tpu.memory_space<vmem>>) target(%dma_start3A_28 : memref<640xf32, #tpu.memory_space<hbm>>) target_semaphore(%run_scoped3A_27 : memref<!tpu.dma_semaphore, #tpu.memory_space<semaphore_mem>>)
      %dma_wait3A = tpu.memref_slice %arg3[%add3A_26] : memref<20480xf32, #tpu.memory_space<hbm>> -> memref<640xf32, #tpu.memory_space<hbm>>
      %dma_wait3A_29 = tpu.memref_slice %arg3[%add3A_26] : memref<20480xf32, #tpu.memory_space<hbm>> -> memref<640xf32, #tpu.memory_space<hbm>>
      tpu.wait_dma2 semaphore(%run_scoped3A_27 : memref<!tpu.dma_semaphore, #tpu.memory_space<semaphore_mem>>) src(%arg8 : memref<640xf32, #tpu.memory_space<vmem>>) dst(%dma_wait3A_29 : memref<640xf32, #tpu.memory_space<hbm>>)
      tpu.yield
    }) : () -> ()
    return
  }
}

module attributes {stable_mosaic.version = 14 : i64} {
  func.func @_mm_body(%arg0: i32, %arg1: memref<1000x128xf32, #tpu.memory_space<vmem>>, %arg2: memref<128x128xf32, #tpu.memory_space<vmem>>, %arg3: memref<1000x1xf32, #tpu.memory_space<vmem>>, %arg4: memref<1000x1xf32, #tpu.memory_space<vmem>>, %arg5: memref<1000x128xf32, #tpu.memory_space<vmem>>) attributes {dimension_semantics = [#tpu.dimension_semantics<arbitrary>], iteration_bounds = array<i64: 10>, scalar_prefetch = 0 : i64, scratch_operands = 0 : i64, tpu.core_type = #tpu.core_type<tc>, window_params = [{transform_indices = @transform_0, window_bounds = array<i64: 1000, 128>}, {pipeline_mode = #tpu.pipeline_mode<synchronous>, transform_indices = @transform_1, window_bounds = array<i64: 128, 128>}, {transform_indices = @transform_2, window_bounds = array<i64: 1000, 1>}, {transform_indices = @transform_3, window_bounds = array<i64: 1000, 1>}, {transform_indices = @transform_4, window_bounds = array<i64: 1000, 128>}]} {
    %get3A = arith.constant 0 : index
    %get3A_0 = arith.constant 0 : index
    %get3A_1 = vector.load %arg1[%get3A, %get3A_0] : memref<1000x128xf32, #tpu.memory_space<vmem>>, vector<1000x128xf32>
    %get3A_2 = arith.constant 0 : index
    %get3A_3 = arith.constant 0 : index
    %get3A_4 = vector.load %arg2[%get3A_2, %get3A_3] : memref<128x128xf32, #tpu.memory_space<vmem>>, vector<128x128xf32>
    %dot_general3A = arith.constant dense<0.000000e+00> : vector<1000x128xf32>
    %dot_general3A_5 = tpu.matmul %get3A_1, %get3A_4, %dot_general3A {dimension_numbers = #tpu.dot_dimension_numbers<[1], [0], [0], [1], [0, 0, 1, 1], [], []>, transpose_lhs_hint = false} : vector<1000x128xf32>, vector<128x128xf32>, vector<1000x128xf32> -> vector<1000x128xf32>
    %get3A_6 = arith.constant 0 : index
    %get3A_7 = arith.constant 0 : index
    %get3A_8 = vector.load %arg3[%get3A_6, %get3A_7] : memref<1000x1xf32, #tpu.memory_space<vmem>>, vector<1000x1xf32>
    %get3A_9 = arith.constant 0 : index
    %get3A_10 = arith.constant 0 : index
    %get3A_11 = vector.load %arg4[%get3A_9, %get3A_10] : memref<1000x1xf32, #tpu.memory_space<vmem>>, vector<1000x1xf32>
    %add3A = arith.addf %get3A_8, %get3A_11 : vector<1000x1xf32>
    %add3A_12 = arith.constant 1.000000e+00 : f32
    %add3A_13 = vector.broadcast %add3A_12 : f32 to vector<1000x1xf32>
    %add3A_14 = arith.addf %add3A, %add3A_13 : vector<1000x1xf32>
    %rsqrt3A = math.rsqrt %add3A_14 : vector<1000x1xf32>
    %mul3A = vector.broadcast %rsqrt3A : vector<1000x1xf32> to vector<1000x128xf32>
    %mul3A_15 = arith.mulf %dot_general3A_5, %mul3A : vector<1000x128xf32>
    %swap3A = arith.constant 0 : index
    %swap3A_16 = arith.constant 0 : index
    %swap3A_17 = vector.load %arg5[%swap3A, %swap3A_16] : memref<1000x128xf32, #tpu.memory_space<vmem>>, vector<1000x128xf32>
    tpu.vector_store %arg5[%swap3A, %swap3A_16], %mul3A_15 {strides = array<i32>} : memref<1000x128xf32, #tpu.memory_space<vmem>>, vector<1000x128xf32>,
    return
  }
  func.func @transform_0(%arg0: i32) -> (i32, i32) {
    %c0_i32 = arith.constant 0 : i32
    %c0_i32_0 = arith.constant 0 : i32
    return %arg0, %c0_i32 : i32, i32
  }
  func.func @transform_1(%arg0: i32) -> (i32, i32) {
    %c0_i32 = arith.constant 0 : i32
    %c0_i32_0 = arith.constant 0 : i32
    %c0_i32_1 = arith.constant 0 : i32
    return %c0_i32, %c0_i32_0 : i32, i32
  }
  func.func @transform_2(%arg0: i32) -> (i32, i32) {
    %c0_i32 = arith.constant 0 : i32
    %c0_i32_0 = arith.constant 0 : i32
    return %arg0, %c0_i32 : i32, i32
  }
  func.func @transform_3(%arg0: i32) -> (i32, i32) {
    %c0_i32 = arith.constant 0 : i32
    %c0_i32_0 = arith.constant 0 : i32
    return %arg0, %c0_i32 : i32, i32
  }
  func.func @transform_4(%arg0: i32) -> (i32, i32) {
    %c0_i32 = arith.constant 0 : i32
    %c0_i32_0 = arith.constant 0 : i32
    return %arg0, %c0_i32 : i32, i32
  }
}

module attributes {stable_mosaic.version = 14 : i64} {
  func.func @_fin_body(%arg0: i32, %arg1: memref<2x1000x128xf32, #tpu.memory_space<vmem>>, %arg2: memref<1000x128xf32, #tpu.memory_space<vmem>>, %arg3: memref<1000x1xf32, #tpu.memory_space<vmem>>, %arg4: memref<1000x1xf32, #tpu.memory_space<vmem>>, %arg5: memref<1000x128xf32, #tpu.memory_space<vmem>>, %arg6: memref<1x128xf32, #tpu.memory_space<vmem>>, %arg7: memref<1x128xf32, #tpu.memory_space<vmem>>, %arg8: memref<1x128xf32, #tpu.memory_space<vmem>>, %arg9: memref<1000x128xf32, #tpu.memory_space<vmem>>) attributes {dimension_semantics = [#tpu.dimension_semantics<arbitrary>], iteration_bounds = array<i64: 10>, scalar_prefetch = 0 : i64, scratch_operands = 0 : i64, tpu.core_type = #tpu.core_type<tc>, window_params = [{transform_indices = @transform_0, window_bounds = array<i64: 2, 1000, 128>}, {transform_indices = @transform_1, window_bounds = array<i64: 1000, 128>}, {transform_indices = @transform_2, window_bounds = array<i64: 1000, 1>}, {transform_indices = @transform_3, window_bounds = array<i64: 1000, 1>}, {transform_indices = @transform_4, window_bounds = array<i64: 1000, 128>}, {pipeline_mode = #tpu.pipeline_mode<synchronous>, transform_indices = @transform_5, window_bounds = array<i64: 1, 128>}, {pipeline_mode = #tpu.pipeline_mode<synchronous>, transform_indices = @transform_6, window_bounds = array<i64: 1, 128>}, {pipeline_mode = #tpu.pipeline_mode<synchronous>, transform_indices = @transform_7, window_bounds = array<i64: 1, 128>}, {transform_indices = @transform_8, window_bounds = array<i64: 1000, 128>}]} {
    %get3A = arith.constant 0 : index
    %get3A_0 = arith.constant 0 : index
    %get3A_1 = vector.load %arg3[%get3A, %get3A_0] : memref<1000x1xf32, #tpu.memory_space<vmem>>, vector<1000x1xf32>
    %get3A_2 = arith.constant 0 : index
    %get3A_3 = arith.constant 0 : index
    %get3A_4 = vector.load %arg4[%get3A_2, %get3A_3] : memref<1000x1xf32, #tpu.memory_space<vmem>>, vector<1000x1xf32>
    %add3A = arith.addf %get3A_1, %get3A_4 : vector<1000x1xf32>
    %add3A_5 = arith.constant 1.000000e+00 : f32
    %add3A_6 = vector.broadcast %add3A_5 : f32 to vector<1000x1xf32>
    %add3A_7 = arith.addf %add3A, %add3A_6 : vector<1000x1xf32>
    %rsqrt3A = math.rsqrt %add3A_7 : vector<1000x1xf32>
    %get3A_8 = arith.constant 0 : index
    %get3A_9 = arith.constant 0 : index
    %get3A_10 = arith.constant 0 : index
    %get3A_11 = vector.load %arg1[%get3A_8, %get3A_9, %get3A_10] : memref<2x1000x128xf32, #tpu.memory_space<vmem>>, vector<1x1000x128xf32>
    %get3A_12 = vector.shape_cast %get3A_11 : vector<1x1000x128xf32> to vector<1000x128xf32>
    %get3A_13 = arith.constant 1 : index
    %get3A_14 = arith.constant 0 : index
    %get3A_15 = arith.constant 0 : index
    %get3A_16 = vector.load %arg1[%get3A_13, %get3A_14, %get3A_15] : memref<2x1000x128xf32, #tpu.memory_space<vmem>>, vector<1x1000x128xf32>
    %get3A_17 = vector.shape_cast %get3A_16 : vector<1x1000x128xf32> to vector<1000x128xf32>
    %add3A_18 = arith.addf %get3A_12, %get3A_17 : vector<1000x128xf32>
    %get3A_19 = arith.constant 0 : index
    %get3A_20 = arith.constant 0 : index
    %get3A_21 = vector.load %arg2[%get3A_19, %get3A_20] : memref<1000x128xf32, #tpu.memory_space<vmem>>, vector<1000x128xf32>
    %add3A_22 = arith.addf %add3A_18, %get3A_21 : vector<1000x128xf32>
    %mul3A = vector.broadcast %rsqrt3A : vector<1000x1xf32> to vector<1000x128xf32>
    %mul3A_23 = arith.mulf %add3A_22, %mul3A : vector<1000x128xf32>
    %get3A_24 = arith.constant 0 : index
    %get3A_25 = arith.constant 0 : index
    %get3A_26 = vector.load %arg6[%get3A_24, %get3A_25] : memref<1x128xf32, #tpu.memory_space<vmem>>, vector<1x128xf32>
    %add3A_27 = vector.broadcast %get3A_26 : vector<1x128xf32> to vector<1000x128xf32>
    %add3A_28 = arith.addf %mul3A_23, %add3A_27 : vector<1000x128xf32>
    %reduce_sum3A = arith.constant dense<0.000000e+00> : vector<1000xf32>
    %reduce_sum3A_29 = vector.multi_reduction <add>, %add3A_28, %reduce_sum3A [1] : vector<1000x128xf32> to vector<1000xf32>
    %broadcast_in_dim3A = vector.shape_cast %reduce_sum3A_29 : vector<1000xf32> to vector<1000x1xf32>
    %div3A = arith.constant 1.280000e+02 : f32
    %div3A_30 = vector.broadcast %div3A : f32 to vector<1000x1xf32>
    %div3A_31 = arith.divf %broadcast_in_dim3A, %div3A_30 : vector<1000x1xf32>
    %sub3A = vector.broadcast %div3A_31 : vector<1000x1xf32> to vector<1000x128xf32>
    %sub3A_32 = arith.subf %add3A_28, %sub3A : vector<1000x128xf32>
    %mul3A_33 = arith.mulf %sub3A_32, %sub3A_32 : vector<1000x128xf32>
    %reduce_sum3A_34 = arith.constant dense<0.000000e+00> : vector<1000xf32>
    %reduce_sum3A_35 = vector.multi_reduction <add>, %mul3A_33, %reduce_sum3A_34 [1] : vector<1000x128xf32> to vector<1000xf32>
    %broadcast_in_dim3A_36 = vector.shape_cast %reduce_sum3A_35 : vector<1000xf32> to vector<1000x1xf32>
    %div3A_37 = arith.constant 1.280000e+02 : f32
    %div3A_38 = vector.broadcast %div3A_37 : f32 to vector<1000x1xf32>
    %div3A_39 = arith.divf %broadcast_in_dim3A_36, %div3A_38 : vector<1000x1xf32>
    %add3A_40 = arith.constant 9.99999974E-6 : f32
    %add3A_41 = vector.broadcast %add3A_40 : f32 to vector<1000x1xf32>
    %add3A_42 = arith.addf %div3A_39, %add3A_41 : vector<1000x1xf32>
    %rsqrt3A_43 = math.rsqrt %add3A_42 : vector<1000x1xf32>
    %mul3A_44 = vector.broadcast %rsqrt3A_43 : vector<1000x1xf32> to vector<1000x128xf32>
    %mul3A_45 = arith.mulf %sub3A_32, %mul3A_44 : vector<1000x128xf32>
    %get3A_46 = arith.constant 0 : index
    %get3A_47 = arith.constant 0 : index
    %get3A_48 = vector.load %arg7[%get3A_46, %get3A_47] : memref<1x128xf32, #tpu.memory_space<vmem>>, vector<1x128xf32>
    %mul3A_49 = vector.broadcast %get3A_48 : vector<1x128xf32> to vector<1000x128xf32>
    %mul3A_50 = arith.mulf %mul3A_45, %mul3A_49 : vector<1000x128xf32>
    %get3A_51 = arith.constant 0 : index
    %get3A_52 = arith.constant 0 : index
    %get3A_53 = vector.load %arg8[%get3A_51, %get3A_52] : memref<1x128xf32, #tpu.memory_space<vmem>>, vector<1x128xf32>
    %add3A_54 = vector.broadcast %get3A_53 : vector<1x128xf32> to vector<1000x128xf32>
    %add3A_55 = arith.addf %mul3A_50, %add3A_54 : vector<1000x128xf32>
    %max3A = arith.constant 0.000000e+00 : f32
    %max3A_56 = vector.broadcast %max3A : f32 to vector<1000x128xf32>
    %max3A_57 = arith.maximumf %add3A_55, %max3A_56 : vector<1000x128xf32>
    %get3A_58 = arith.constant 0 : index
    %get3A_59 = arith.constant 0 : index
    %get3A_60 = vector.load %arg5[%get3A_58, %get3A_59] : memref<1000x128xf32, #tpu.memory_space<vmem>>, vector<1000x128xf32>
    %add3A_61 = arith.addf %max3A_57, %get3A_60 : vector<1000x128xf32>
    %swap3A = arith.constant 0 : index
    %swap3A_62 = arith.constant 0 : index
    %swap3A_63 = vector.load %arg9[%swap3A, %swap3A_62] : memref<1000x128xf32, #tpu.memory_space<vmem>>, vector<1000x128xf32>
    tpu.vector_store %arg9[%swap3A, %swap3A_62], %add3A_61 {strides = array<i32>} : memref<1000x128xf32, #tpu.memory_space<vmem>>, vector<1000x128xf32>,
    return
  }
  func.func @transform_0(%arg0: i32) -> (i32, i32, i32) {
    %c0_i32 = arith.constant 0 : i32
    %c0_i32_0 = arith.constant 0 : i32
    %c0_i32_1 = arith.constant 0 : i32
    return %c0_i32, %arg0, %c0_i32_0 : i32, i32, i32
  }
  func.func @transform_1(%arg0: i32) -> (i32, i32) {
    %c0_i32 = arith.constant 0 : i32
    %c0_i32_0 = arith.constant 0 : i32
    return %arg0, %c0_i32 : i32, i32
  }
  func.func @transform_2(%arg0: i32) -> (i32, i32) {
    %c0_i32 = arith.constant 0 : i32
    %c0_i32_0 = arith.constant 0 : i32
    return %arg0, %c0_i32 : i32, i32
  }
  func.func @transform_3(%arg0: i32) -> (i32, i32) {
    %c0_i32 = arith.constant 0 : i32
    %c0_i32_0 = arith.constant 0 : i32
    return %arg0, %c0_i32 : i32, i32
  }
  func.func @transform_4(%arg0: i32) -> (i32, i32) {
    %c0_i32 = arith.constant 0 : i32
    %c0_i32_0 = arith.constant 0 : i32
    return %arg0, %c0_i32 : i32, i32
  }
  func.func @transform_5(%arg0: i32) -> (i32, i32) {
    %c0_i32 = arith.constant 0 : i32
    %c0_i32_0 = arith.constant 0 : i32
    %c0_i32_1 = arith.constant 0 : i32
    return %c0_i32, %c0_i32_0 : i32, i32
  }
  func.func @transform_6(%arg0: i32) -> (i32, i32) {
    %c0_i32 = arith.constant 0 : i32
    %c0_i32_0 = arith.constant 0 : i32
    %c0_i32_1 = arith.constant 0 : i32
    return %c0_i32, %c0_i32_0 : i32, i32
  }
  func.func @transform_7(%arg0: i32) -> (i32, i32) {
    %c0_i32 = arith.constant 0 : i32
    %c0_i32_0 = arith.constant 0 : i32
    %c0_i32_1 = arith.constant 0 : i32
    return %c0_i32, %c0_i32_0 : i32, i32
  }
  func.func @transform_8(%arg0: i32) -> (i32, i32) {
    %c0_i32 = arith.constant 0 : i32
    %c0_i32_0 = arith.constant 0 : i32
    return %arg0, %c0_i32 : i32, i32
  }
}

</mosaic_0001>

<sc_bundles>
// kernel: kernel.6.cloned.1.call-start
scs
__scs_entry_jumppad:
0x0: {  	(pc) =	sbr.rel $0x88, $3  }
0x1: {  	(tag) =	ssettag $0x0;
	lr =	simm.s32 $0x1  }
0x2: {  	[smem:$0x3F9B] =	sst lr;
	_ =	strace $0xD0000000  }
0x3: {  	_ = 	snop  }
0x4: {  	_ = 	snop  }
0x5: {  	_ = 	snop  }
0x6: {  	_ = 	snop  }
0x7: {  	_ = 	snop  }
__scs_overlays_trampoline_lowered:
0x8: {  	[smem:$0x3FAA] =	sst s0  }
0x9: {  	[smem:$0x3FAB] =	sst s1  }
0xa: {  	[smem:$0x3FAC] =	sst s2  }
0xb: {  	[smem:$0x3FAD] =	sst s3  }
0xc: {  	[smem:$0x3FAE] =	sst s4  }
0xd: {  	[smem:$0x3FAF] =	sst s5  }
0xe: {  	[smem:$0x3FB0] =	sst s6  }
0xf: {  	[smem:$0x3FB1] =	sst s7  }
0x10: {  	[smem:$0x3FB2] =	sst s8  }
0x11: {  	[smem:$0x3FB3] =	sst s9;
	s0 =	simm.s32 @!p0 $0x0  }
0x12: {  	s1 =	sld [smem:$0x3F99];
	s0 =	simm.s32 @p0 $0x1  }
0x13: {  	[smem:$0x3FB4] =	sst s0;
	s0 =	simm.s32 @!p1 $0x0  }
0x14: {  	s2 =	sld [smem:$0x3F98];
	s0 =	simm.s32 @p1 $0x1  }
0x15: {  	[smem:$0x3FB5] =	sst s0;
	s0 =	simm.s32 @!p2 $0x0  }
0x16: {  	s3 =	sld [smem:$0x3FDB];
	s0 =	simm.s32 @p2 $0x1  }
0x17: {  	s4 =	simm.s32 $0x1BF5;
	[smem:$0x3FB7] =	sst s0  }
0x18: {  	s0 =	sld [smem:$0x3F9A];
	_ =	swait.ge [sflag:s4], $0x0  }
0x19: {  	s7 =	sld [smem:$0x3F9B]  }
0x1a: {  	s8 =	sadd.s32 $0xFFFFE003, lr  }
0x1b: {  	s9 =	sadd.s32 $0xFFFFFEF7, lr;
	s5 =	simm.s32 $0xFFFFFFFF;
	p2 =	slt.u32 s8, $0xFFFFF086  }
0x1c: {  	p1 =	slt.u32 s9, $0xF7A;
	s5 =	simm.s32 @!p2 $0x0  }
0x1d: {  	s5 =	simm.s32 @p1 $0x1;
	p0 =	seq.s32 s7, s2  }
0x1e: {  	s7 =	smul.u32 @!p0 $0xF7A, s2;
	p2 =	seq.s32 @!p0 s5, $0x0  }
0x1f: {  	s9 =	smul.u32 $0xF7A, s1;
	s8 =	simm.s32 @!p0 $0x1BF5;
	p2 =	por !p2, p0  }
0x20: {  	[sflag:s8] =	ssyncset.s32 @!p0 $0xFFFFF086;
	s6 =	sadd.s32 @!p0 s3, s7;
	s7 =	simm.s32 @!p0 $0x108  }
0x21: {  	s3 =	sadd.s32 s3, s9;
	s6 =	sadd.s32 @!p0 $0x88, s6;
	s7 =	simm.s32 @p2 $0x1082  }
0x22: {  	[simem:s7], [sflag:s8] =	dma.local @!p0 [hbm:s6], $0xF7A  }
0x23: {  	s9 =	sor.u32 $0xD0000000, s2;
	s6 =	simm.s32 $0x108;
	_ =	swait.ge @!p0 [sflag:s8], $0x0  }
0x24: {  	s3 =	sadd.s32 $0x88, s3;
	s6 =	simm.s32 @!p1 $0x1082;
	[sflag:s4] =	ssyncset.s32 $0xFFFFF086  }
0x25: {  	[simem:s6], [sflag:s4] =	dma.local [hbm:s3], $0xF7A  }
0x26: {  	[smem:$0x3F9B] =	sst s1;
	(tag) =	ssettag s2;
	_ =	strace s9  }
0x27: {  	s1 =	sld [smem:$0x3FAB]  }
0x28: {  	s2 =	sld [smem:$0x3FAC]  }
0x29: {  	s4 =	sld [smem:$0x3FAE]  }
0x2a: {  	p0 =	seq.s32 s5, $0x0;
	s5 =	sld [smem:$0x3FAF]  }
0x2b: {  	s6 =	sld [smem:$0x3FB0]  }
0x2c: {  	s7 =	sld [smem:$0x3FB1]  }
0x2d: {  	s3 =	simm.s32 $0x108;
	s8 =	sld [smem:$0x3FB2]  }
0x2e: {  	s3 =	simm.s32 @!p0 $0x1082;
	s9 =	sld [smem:$0x3FB3]  }
0x2f: {  	lr =	sadd.s32 s0, s3;
	s0 =	sld [smem:$0x3FAA]  }
0x30: {  	s3 =	sld [smem:$0x3FAD]  }
0x31: {  	[smem:$0x3FB6] =	sst s10  }
0x32: {  	s10 =	sld [smem:$0x3FB4];
	_ =	sdelay $0x3  }
0x33: {  	p0 =	seq.s32 s10, $0x1;
	s10 =	sld [smem:$0x3FB6];
	_ =	sdelay $0x3  }
0x34: {  	[smem:$0x3FB6] =	sst s10  }
0x35: {  	s10 =	sld [smem:$0x3FB5];
	_ =	sdelay $0x3  }
0x36: {  	p1 =	seq.s32 s10, $0x1;
	s10 =	sld [smem:$0x3FB6];
	_ =	sdelay $0x3  }
0x37: {  	[smem:$0x3FB6] =	sst s10  }
0x38: {  	s10 =	sld [smem:$0x3FB7]  }
0x39: {  	_ = 	snop;
	(pc) =	sbr.ind lr, $3  }
0x3a: {  	_ = 	snop  }
0x3b: {  	_ = 	snop  }
0x3c: {  	p2 =	seq.s32 s10, $0x1;
	s10 =	sld [smem:$0x3FB6]  }
0x3d: {  	_ =	shalt  }
0x3e: {  	_ =	shalt  }
0x3f: {  	_ =	shalt  }
0x40: {  	_ =	shalt  }
0x41: {  	_ =	shalt  }
0x42: {  	_ =	shalt  }
0x43: {  	_ =	shalt  }
0x44: {  	_ =	shalt  }
0x45: {  	_ =	shalt  }
0x46: {  	_ =	shalt  }
0x47: {  	_ =	shalt  }
0x48: {  	_ =	shalt  }
0x49: {  	_ =	shalt  }
0x4a: {  	_ =	shalt  }
0x4b: {  	_ =	shalt  }
0x4c: {  	_ =	shalt  }
0x4d: {  	_ =	shalt  }
0x4e: {  	_ =	shalt  }
0x4f: {  	_ =	shalt  }
0x50: {  	_ =	shalt  }
0x51: {  	_ =	shalt  }
0x52: {  	_ =	shalt  }
0x53: {  	_ =	shalt  }
0x54: {  	_ =	shalt  }
0x55: {  	_ =	shalt  }
0x56: {  	_ =	shalt  }
0x57: {  	_ =	shalt  }
0x58: {  	_ =	shalt  }
0x59: {  	_ =	shalt  }
0x5a: {  	_ =	shalt  }
0x5b: {  	_ =	shalt  }
0x5c: {  	_ =	shalt  }
0x5d: {  	_ =	shalt  }
0x5e: {  	_ =	shalt  }
0x5f: {  	_ =	shalt  }
0x60: {  	_ =	shalt  }
0x61: {  	_ =	shalt  }
0x62: {  	_ =	shalt  }
0x63: {  	_ =	shalt  }
0x64: {  	_ =	shalt  }
0x65: {  	_ =	shalt  }
0x66: {  	_ =	shalt  }
0x67: {  	_ =	shalt  }
0x68: {  	_ =	shalt  }
0x69: {  	_ =	shalt  }
0x6a: {  	_ =	shalt  }
0x6b: {  	_ =	shalt  }
0x6c: {  	_ =	shalt  }
0x6d: {  	_ =	shalt  }
0x6e: {  	_ =	shalt  }
0x6f: {  	_ =	shalt  }
0x70: {  	_ =	shalt  }
0x71: {  	_ =	shalt  }
0x72: {  	_ =	shalt  }
0x73: {  	_ =	shalt  }
0x74: {  	_ =	shalt  }
0x75: {  	_ =	shalt  }
0x76: {  	_ =	shalt  }
0x77: {  	_ =	shalt  }
0x78: {  	_ =	shalt  }
0x79: {  	_ =	shalt  }
0x7a: {  	_ =	shalt  }
0x7b: {  	_ =	shalt  }
0x7c: {  	_ =	shalt  }
0x7d: {  	_ =	shalt  }
0x7e: {  	_ =	shalt  }
0x7f: {  	_ =	shalt  }
0x80: {  	_ =	shalt  }
0x81: {  	_ =	shalt  }
0x82: {  	_ =	shalt  }
0x83: {  	_ =	shalt  }
0x84: {  	_ =	shalt  }
0x85: {  	_ =	shalt  }
0x86: {  	_ =	shalt  }
0x87: {  	_ =	shalt  }
.Lfunc_end0:
.L_simem_size_0:
called_computation_lowered:
.L_overlay_start_0:
0x88: {  	s2 =	sld [smem:$0x3FD9]  }
0x89: {  	s3 =	sld [smem:$0x3FFE];
	_ =	sdelay $0x1  }
0x8a: {  	s1 =	srdreg.scid  }
0x8b: {  	s0 =	sand.u32 $0x1, s1  }
0x8c: {  	s17 =	sshll.u32 s0, $0xA;
	s2 =	sadd.s32 s3, s2  }
0x8d: {  	s2 =	sadd.s32 s2, s17  }
0x8e: {  	[smem:$0x3FC2] =	sst s2  }
0x8f: {  	_ = 	snop  }
0x90: {  	s2 =	sld [smem:$0x3FD0];
	(tm) =	ssettm $0x1  }
0x91: {  	s18 =	sld [smem:$0x3FFB];
	_ =	sdelay $0x3  }
0x92: {  	_ =	strace s18  }
0x93: {  	s3 =	sld [smem:$0x3FFC];
	_ =	sdelay $0x3  }
0x94: {  	_ =	strace s3  }
0x95: {  	s3 =	sld [smem:$0x3FFD];
	_ =	sdelay $0x3  }
0x96: {  	_ =	strace s3  }
0x97: {  	_ =	strace $0x8FFFFFFF  }
0x98: {  	s19 =	sld [smem:$0x3FDB];
	_ =	sdelay $0x1  }
0x99: {  	s4 =	simm.s32 $_scs_section_size  }
0x9a: {  	s5 =	simm.s32 $_size__tile_overlayer_lowered;
	s6 =	simm.s32 $_tile_overlayer_lowered  }
0x9b: {  	s22 =	simm.s32 $0x1BFF;
	s21 =	sshll.u32 s6, $0x1;
	s3 =	sadd.s32 s4, s19  }
0x9c: {  	s7 =	simm.s32 $0x0;
	s20 =	sshll.u32 s5, $0x1;
	s5 =	sadd.s32 s21, s3  }
0x9d: {  	[timem:s7], [sflag:s22] =	dma.local [hbm:s5], s20  }
0x9e: {  	_ =	swait.ge [sflag:s22], s20  }
0x9f: {  	s4 =	ssub.s32 $0x0, s20;
	[sflag:s22] =	ssyncset.done $0x0  }
0xa0: {  	[sflag:s22] =	ssyncadd.s32 s4;
	_ =	sdelay $0x1  }
0xa1: {  	s23 =	simm.s32 $0x1B8B  }
0xa2: {  	_ =	swait.ge [sflag:s23], $0x1  }
0xa3: {  	[sflag:s23] =	ssyncset.done $0x0  }
0xa4: {  	s25 =	simm.s32 $0x1B8E;
	s24 =	sld [smem:$0x3FFE];
	[sflag:s23] =	ssyncadd.s32 $0xFFFFFFFF  }
0xa5: {  	s26 =	simm.s32 $execute0_lowered;
	[smem:$0x3FD2] =	sst s25  }
0xa6: {  	s5 =	sshll.u32 s26, $0x1;
	_ =	strace $0x80000046;
	[dreg:$0x1] =	wrdreg $0xFFFFFFFF  }
0xa7: {  	s28 =	simm.s32 $_size_execute0_lowered;
	s3 =	sadd.s32 s3, s5;
	[dreg:$0x0] =	wrdreg $0x0  }
0xa8: {  	s5 =	sshll.u32 s28, $0x1;
	[dreg:$0x2] =	wrdreg s3  }
0xa9: {  	[dreg:$0x3] =	wrdreg s5  }
0xaa: {  	[dreg:$0x4] =	wrdreg $0xC0  }
0xab: {  	_ =	task [dreg:s7], $0x5FFFF  }
0xac: {  	[dreg:$0x1] =	wrdreg $0xFFFFFFFF  }
0xad: {  	[dreg:$0x0] =	wrdreg $0x60  }
0xae: {  	[dreg:$0x2] =	wrdreg s24  }
0xaf: {  	[dreg:$0x3] =	wrdreg s2  }
0xb0: {  	[dreg:$0x4] =	wrdreg $0x50000  }
0xb1: {  	[dreg:$0x5] =	wrdreg $0x9  }
0xb2: {  	_ =	task.clear_ibuf [dreg:s7], $0x6FFFF;
	_ =	strace $0x90000046  }
0xb3: {  	s29 =	simm.s32 $0x9;
	_ =	strace $0x80000048  }
0xb4: {  	_ =	swait.ge [sflag:s29], $0x1  }
0xb5: {  	[sflag:s29] =	ssyncadd.s32 $0xFFFFFFFF  }
0xb6: {  	_ =	strace $0x90000048  }
0xb7: {  	_ =	sfence  }
0xb8: {  	s30 =	sld [smem:$0x0];
	_ =	sdelay $0x2  }
0xb9: {  	s31 =	sshll.u32 s1, $0xD;
	s1 =	sshrl.u32 s1, $0x2  }
0xba: {  	s3 =	sand.u32 $0x4000, s31;
	s1 =	sadd.s32 s1, s30  }
0xbb: {  	s0 =	sor.u32 s3, s0;
	s1 =	sshll.u32 s1, $0x11  }
0xbc: {  	s0 =	sor.u32 s1, s0  }
0xbd: {  	s0 =	sadd.s32 $0x8F2B, s0  }
0xbe: {  	[sflag:s0] =	ssyncadd.remote.s32 $0x1  }
0xbf: {  	_ =	sfence.sel $0xFFFF  }
0xc0: {  	[dreg:$0x0] =	wrdreg $0xFFFFFFFF;
	(pc) =	sbr.abs _section_cstart, $3  }
0xc1: {  	[dreg:$0x1] =	wrdreg $0xFFFFFFFF  }
0xc2: {  	_ =	task.clear_ibuf [dreg:s7], $0x2FFFF;
	_ =	strace $0x9FFFFFFF  }
0xc3: {  	(tm) =	ssettm $0x7FFFFFFF  }
tec
execute0_lowered:
.L_overlay_start_1:
0x0: {  	(tag) =	ssettag $0x1  }
0x1: {  	s3 =	rddreg [dreg:$0x0]  }
0x2: {  	s0 =	srdreg.scid;
	s6 =	rddreg [dreg:$0x1]  }
0x3: {  	s5 =	rddreg [dreg:$0x2];
	s1 =	stileid.u32  }
0x4: {  	s12 =	simm.s32 $0x7A80;
	s13 =	simm.s32 $0x7800;
	s14 =	simm.s32 $0x0  }
0x5: {  	s4 =	sand.u32 $0x1, s0;
	s0 =	rddreg [dreg:$0x3];
	s10 =	smul.u32 $0x280, s1  }
0x6: {  	s8 =	sshrl.u32 s1, $0x3;
	s11 =	smul.u32 $0x5000, s1;
	s30 =	sshll.u32 s1, $0x7  }
0x7: {  	s2 =	sshll.u32 s4, $0x4;
	s8 =	smul.u32 $0x50000, s8;
	s9 =	ssub.s32 $0x2, s4  }
0x8: {  	s4 =	smul.u32 $0x2800, s4;
	s7 =	sor.u32 s1, s2;
	s2 =	simm.s32 $0x0  }
0x9: {  	s29 =	sshrl.u32 s9, $0x1;
	s11 =	sshrl.u32 s11, $0x2;
	s7 =	smul.u32 $0x500, s7  }
0xa: {  	[smem:$0x7FF] =	sst s2;
	s8 =	sshrl.u32 s8, $0x2;
	s10 =	sadd.s32 s10, s4  }
0xb: {  	_ =	strace $0x80000047;
	s8 =	sadd.s32 s8, s5;
	s5 =	sadd.s32 s11, s5  }
0xc: {  	s31 =	sshrl.u32 s10, $0x3;
	s10 =	simm.s32 $0x80;
	s11 =	simm.s32 $0x400  }
0xd: {  	s3 =	sadd.s32 s7, s3;
	s7 =	ssub.s32 s9, s29;
	s9 =	sand.u32 $0x380, s30  }
0xe: {  	s6 =	sadd.s32 s6, s31;
	s3 =	sadd.s32 $0x1C00, s3;
	s4 =	sadd.s32 s9, s8  }
0xf: {  	v0 =	vimm.f32 $0.0e+00;
	v1 =	vimm.f32 $1.000000000e+00;
	s7 =	smax.u32 s7, $0x1;
	s8 =	simm.s32 $0x2800;
	s9 =	simm.s32 $0x1  }
.LBB2_1:
0x10: {  	[tilespmem:s8], [sflag:$0x1] =	stream.linear.gather [hbm4b:s3+s2], $0x2800, $0x38;
	[tilespmem:$0x7D00] =	vst v63  }
0x11: {  	_ =	swait.ge [sflag:s9], $0x2800  }
0x12: {  	[sflag:s9] =	ssyncset.done $0x0  }
0x13: {  	s15 =	simm.s32 $0x0;
	[sflag:s9] =	ssyncadd.s32 $0xFFFFD800  }
.LBB2_2:
0x14: {  	p0 =	sne.s32 s15, $0x9FC0  }
.Ltmp0:
0x15: {  	_ = 	snop;
	(pc) =	sbr.rel @p0 .LBB2_2-.Ltmp0, $3  }
0x16: {  	_ =	sdelay $0x1  }
0x17: {  	s16 =	sshra.s32 s15, $0x2  }
0x18: {  	s15 =	sadd.s32 $0x40, s15;
	[tilespmem:s16+$0x0] =	vst v0  }
0x19: {  	s16 =	simm.s32 $0x0;
	s15 =	simm.s32 $0x40  }
.LBB2_4:
0x1a: {  	p0 =	sne.s32 s15, $0x9FC0;
	v2 =	vld [tilespmem:s16+$0x2800];
	_ =	sdelay $0x3  }
.Ltmp1:
0x1b: {  	(pc) =	sbr.rel @p0 .LBB2_4-.Ltmp1, $2  }
0x1c: {  	_ =	sdelay $0x2  }
0x1d: {  	s16 =	sshra.s32 s15, $0x2;
	s15 =	sadd.s32 $0x40, s15;
	[tilespmem:v2+s2+$0x0] =	vst.idx.add.f32.msk $0xffff, v1  }
0x1e: {  	v2 =	vld [tilespmem:s16+$0x2800];
	_ =	sdelay $0x7  }
0x1f: {  	s15 =	simm.s32 $0x0;
	[tilespmem:v2+s2+$0x0] =	vst.idx.add.f32.msk $0xffff, v1  }
0x20: {  	[spmem:s4] =	stream.strided.scatter [tilespmem:s15], [sflag:$0x1], $0x2800, s11, s10, $0x38;
	[tilespmem:$0x7D00] =	vst v63  }
0x21: {  	_ =	swait.ge [sflag:s9], $0x2800  }
0x22: {  	[sflag:s9] =	ssyncset.done $0x0  }
0x23: {  	[sflag:s9] =	ssyncadd.s32 $0xFFFFD800  }
0x24: {  	[bflag:$0x0] =	sbarrier.arrive $0xFFFF  }
0x25: {  	[tilespmem:s12], [sflag:$0x1] =	stream.strided.gather [spmem:s5], $0x280, s11, s10, $0x38;
	[tilespmem:$0x7D00] =	vst v63  }
0x26: {  	_ =	swait.ge [sflag:s9], $0x280  }
0x27: {  	[sflag:s9] =	ssyncset.done $0x0  }
0x28: {  	[sflag:s9] =	ssyncadd.s32 $0xFFFFFD80  }
.LBB2_7:
0x29: {  	s15 =	sadd.s32 $0x1, s15  }
0x2a: {  	s16 =	sshrl.u32 s15, $0x3  }
0x2b: {  	s16 =	smul.u32 $0x50000, s16;
	_ =	sdelay $0x1  }
0x2c: {  	s17 =	sshll.u32 s15, $0x7;
	s16 =	sshra.s32 s16, $0x2  }
0x2d: {  	s17 =	sand.u32 $0x380, s17;
	s16 =	sadd.s32 s16, s5  }
0x2e: {  	s16 =	sadd.s32 s17, s16  }
0x2f: {  	[tilespmem:s13], [sflag:$0x1] =	stream.strided.gather [spmem:s16], $0x280, s11, s10, $0x38;
	[tilespmem:$0x7D00] =	vst v63  }
0x30: {  	_ =	swait.ge [sflag:s9], $0x280  }
0x31: {  	[sflag:s9] =	ssyncset.done $0x0  }
0x32: {  	s16 =	simm.s32 $0x0;
	[sflag:s9] =	ssyncadd.s32 $0xFFFFFD80  }
0x33: {  	s17 =	simm.s32 $0x40;
	v2 =	vld [tilespmem:s16+$0x7800]  }
.LBB2_8:
0x34: {  	p0 =	seq.s32 s17, $0x9C0;
	v3 =	vld [tilespmem:s16+$0x7A80];
	_ =	sdelay $0x2  }
.Ltmp2:
0x35: {  	(pc) =	sbr.rel @!p0 .LBB2_8-.Ltmp2, $4  }
0x36: {  	_ = 	snop  }
0x37: {  	v3 =	vadd.f32 v2, v3  }
0x38: {  	s18 =	sshra.s32 s17, $0x2  }
0x39: {  	s17 =	sadd.s32 $0x40, s17;
	v2 =	vld [tilespmem:s18+$0x7800];
	[tilespmem:s16+$0x7A80] =	vst v3;
	s16 =	smov.u32 s18  }
0x3a: {  	v3 =	vld [tilespmem:s16+$0x7A80];
	_ =	sdelay $0x4  }
0x3b: {  	v2 =	vadd.f32 v2, v3;
	_ =	sdelay $0x1  }
0x3c: {  	[tilespmem:s16+$0x7A80] =	vst v2  }
0x3d: {  	p0 =	seq.s32 s15, $0xF  }
.Ltmp3:
0x3e: {  	_ = 	snop;
	(pc) =	sbr.rel @!p0 .LBB2_7-.Ltmp3, $1  }
0x3f: {  	_ =	sdelay $0x3  }
0x40: {  	s14 =	sadd.s32 $0x1, s14  }
0x41: {  	p0 =	sne.s32 s14, s7  }
.Ltmp4:
0x42: {  	_ = 	snop;
	(pc) =	sbr.rel @p0 .LBB2_1-.Ltmp4, $4  }
0x43: {  	[hbm4b:s6+s2] =	stream.linear.scatter [tilespmem:s12], [sflag:$0x1], $0x280, $0x38;
	[tilespmem:$0x7D00] =	vst v63  }
0x44: {  	_ =	swait.ge [sflag:s9], $0x280  }
0x45: {  	[sflag:s9] =	ssyncset.done $0x0  }
0x46: {  	[sflag:s9] =	ssyncadd.s32 $0xFFFFFD80  }
0x47: {  	_ =	sfence.sel $0x180000  }
0x48: {  	[bflag:$0x0] =	sbarrier.arrive $0xFFFF  }
0x49: {  	p0 =	sne.s32 s1, $0x0;
	_ =	strace $0x90000047  }
0x4a: {  	s0 =	sadd.s32 @!p0 $0x100000, s0;
	[bflag:$0x2] =	sbarrier.arrive $0xFFFF  }
0x4b: {  	[sflag:s0] =	ssyncadd.tile.s32 @!p0 $0x1;
	_ =	shalt  }
.Lfunc_end2:
_tile_overlayer_lowered:
.L_overlay_start_2:
0x4c: {  	(tag) =	ssettag $0x2  }
0x4d: {  	s0 =	rddreg [dreg:$0x0];
	s2 =	stileid.u32  }
0x4e: {  	s1 =	rddreg [dreg:$0x1];
	p0 =	sne.s32 s2, $0x0  }
0x4f: {  	s3 =	rddreg [dreg:$0x2];
	[bflag:$0x3] =	sbarrier.arrive $0xFFFF;
	s2 =	simm.s32 @!p0 $0x1C01  }
0x50: {  	[timem:s3], [sflag:s2] =	dma.local @!p0 [hbm:s0], s1  }
0x51: {  	s0 =	simm.s32 @!p0 $0x1  }
0x52: {  	_ =	swait.ge @!p0 [sflag:s0], s1  }
0x53: {  	s1 =	ssub.s32 @!p0 $0x0, s1;
	[sflag:s0] =	ssyncset.done @!p0 $0x0  }
0x54: {  	[sflag:s0] =	ssyncadd.s32 @!p0 s1  }
0x55: {  	[bflag:$0x3] =	sbarrier.arrive $0xFFFF  }
0x56: {  	_ =	shalt  }

// kernel: kernel.9.cloned.1.call-start
scs
__scs_entry_jumppad:
0x0: {  	(pc) =	sbr.rel $0x88, $3  }
0x1: {  	(tag) =	ssettag $0x0;
	lr =	simm.s32 $0x1  }
0x2: {  	[smem:$0x3F9B] =	sst lr;
	_ =	strace $0xD0000000  }
0x3: {  	_ = 	snop  }
0x4: {  	_ = 	snop  }
0x5: {  	_ = 	snop  }
0x6: {  	_ = 	snop  }
0x7: {  	_ = 	snop  }
__scs_overlays_trampoline_lowered:
0x8: {  	[smem:$0x3FAA] =	sst s0  }
0x9: {  	[smem:$0x3FAB] =	sst s1  }
0xa: {  	[smem:$0x3FAC] =	sst s2  }
0xb: {  	[smem:$0x3FAD] =	sst s3  }
0xc: {  	[smem:$0x3FAE] =	sst s4  }
0xd: {  	[smem:$0x3FAF] =	sst s5  }
0xe: {  	[smem:$0x3FB0] =	sst s6  }
0xf: {  	[smem:$0x3FB1] =	sst s7  }
0x10: {  	[smem:$0x3FB2] =	sst s8  }
0x11: {  	[smem:$0x3FB3] =	sst s9;
	s0 =	simm.s32 @!p0 $0x0  }
0x12: {  	s1 =	sld [smem:$0x3F99];
	s0 =	simm.s32 @p0 $0x1  }
0x13: {  	[smem:$0x3FB4] =	sst s0;
	s0 =	simm.s32 @!p1 $0x0  }
0x14: {  	s2 =	sld [smem:$0x3F98];
	s0 =	simm.s32 @p1 $0x1  }
0x15: {  	[smem:$0x3FB5] =	sst s0;
	s0 =	simm.s32 @!p2 $0x0  }
0x16: {  	s3 =	sld [smem:$0x3FDB];
	s0 =	simm.s32 @p2 $0x1  }
0x17: {  	s4 =	simm.s32 $0x1BF5;
	[smem:$0x3FB7] =	sst s0  }
0x18: {  	s0 =	sld [smem:$0x3F9A];
	_ =	swait.ge [sflag:s4], $0x0  }
0x19: {  	s7 =	sld [smem:$0x3F9B]  }
0x1a: {  	s8 =	sadd.s32 $0xFFFFE003, lr  }
0x1b: {  	s9 =	sadd.s32 $0xFFFFFEF7, lr;
	s5 =	simm.s32 $0xFFFFFFFF;
	p2 =	slt.u32 s8, $0xFFFFF086  }
0x1c: {  	p1 =	slt.u32 s9, $0xF7A;
	s5 =	simm.s32 @!p2 $0x0  }
0x1d: {  	s5 =	simm.s32 @p1 $0x1;
	p0 =	seq.s32 s7, s2  }
0x1e: {  	s7 =	smul.u32 @!p0 $0xF7A, s2;
	p2 =	seq.s32 @!p0 s5, $0x0  }
0x1f: {  	s9 =	smul.u32 $0xF7A, s1;
	s8 =	simm.s32 @!p0 $0x1BF5;
	p2 =	por !p2, p0  }
0x20: {  	[sflag:s8] =	ssyncset.s32 @!p0 $0xFFFFF086;
	s6 =	sadd.s32 @!p0 s3, s7;
	s7 =	simm.s32 @!p0 $0x108  }
0x21: {  	s3 =	sadd.s32 s3, s9;
	s6 =	sadd.s32 @!p0 $0x88, s6;
	s7 =	simm.s32 @p2 $0x1082  }
0x22: {  	[simem:s7], [sflag:s8] =	dma.local @!p0 [hbm:s6], $0xF7A  }
0x23: {  	s9 =	sor.u32 $0xD0000000, s2;
	s6 =	simm.s32 $0x108;
	_ =	swait.ge @!p0 [sflag:s8], $0x0  }
0x24: {  	s3 =	sadd.s32 $0x88, s3;
	s6 =	simm.s32 @!p1 $0x1082;
	[sflag:s4] =	ssyncset.s32 $0xFFFFF086  }
0x25: {  	[simem:s6], [sflag:s4] =	dma.local [hbm:s3], $0xF7A  }
0x26: {  	[smem:$0x3F9B] =	sst s1;
	(tag) =	ssettag s2;
	_ =	strace s9  }
0x27: {  	s1 =	sld [smem:$0x3FAB]  }
0x28: {  	s2 =	sld [smem:$0x3FAC]  }
0x29: {  	s4 =	sld [smem:$0x3FAE]  }
0x2a: {  	p0 =	seq.s32 s5, $0x0;
	s5 =	sld [smem:$0x3FAF]  }
0x2b: {  	s6 =	sld [smem:$0x3FB0]  }
0x2c: {  	s7 =	sld [smem:$0x3FB1]  }
0x2d: {  	s3 =	simm.s32 $0x108;
	s8 =	sld [smem:$0x3FB2]  }
0x2e: {  	s3 =	simm.s32 @!p0 $0x1082;
	s9 =	sld [smem:$0x3FB3]  }
0x2f: {  	lr =	sadd.s32 s0, s3;
	s0 =	sld [smem:$0x3FAA]  }
0x30: {  	s3 =	sld [smem:$0x3FAD]  }
0x31: {  	[smem:$0x3FB6] =	sst s10  }
0x32: {  	s10 =	sld [smem:$0x3FB4];
	_ =	sdelay $0x3  }
0x33: {  	p0 =	seq.s32 s10, $0x1;
	s10 =	sld [smem:$0x3FB6];
	_ =	sdelay $0x3  }
0x34: {  	[smem:$0x3FB6] =	sst s10  }
0x35: {  	s10 =	sld [smem:$0x3FB5];
	_ =	sdelay $0x3  }
0x36: {  	p1 =	seq.s32 s10, $0x1;
	s10 =	sld [smem:$0x3FB6];
	_ =	sdelay $0x3  }
0x37: {  	[smem:$0x3FB6] =	sst s10  }
0x38: {  	s10 =	sld [smem:$0x3FB7]  }
0x39: {  	_ = 	snop;
	(pc) =	sbr.ind lr, $3  }
0x3a: {  	_ = 	snop  }
0x3b: {  	_ = 	snop  }
0x3c: {  	p2 =	seq.s32 s10, $0x1;
	s10 =	sld [smem:$0x3FB6]  }
0x3d: {  	_ =	shalt  }
0x3e: {  	_ =	shalt  }
0x3f: {  	_ =	shalt  }
0x40: {  	_ =	shalt  }
0x41: {  	_ =	shalt  }
0x42: {  	_ =	shalt  }
0x43: {  	_ =	shalt  }
0x44: {  	_ =	shalt  }
0x45: {  	_ =	shalt  }
0x46: {  	_ =	shalt  }
0x47: {  	_ =	shalt  }
0x48: {  	_ =	shalt  }
0x49: {  	_ =	shalt  }
0x4a: {  	_ =	shalt  }
0x4b: {  	_ =	shalt  }
0x4c: {  	_ =	shalt  }
0x4d: {  	_ =	shalt  }
0x4e: {  	_ =	shalt  }
0x4f: {  	_ =	shalt  }
0x50: {  	_ =	shalt  }
0x51: {  	_ =	shalt  }
0x52: {  	_ =	shalt  }
0x53: {  	_ =	shalt  }
0x54: {  	_ =	shalt  }
0x55: {  	_ =	shalt  }
0x56: {  	_ =	shalt  }
0x57: {  	_ =	shalt  }
0x58: {  	_ =	shalt  }
0x59: {  	_ =	shalt  }
0x5a: {  	_ =	shalt  }
0x5b: {  	_ =	shalt  }
0x5c: {  	_ =	shalt  }
0x5d: {  	_ =	shalt  }
0x5e: {  	_ =	shalt  }
0x5f: {  	_ =	shalt  }
0x60: {  	_ =	shalt  }
0x61: {  	_ =	shalt  }
0x62: {  	_ =	shalt  }
0x63: {  	_ =	shalt  }
0x64: {  	_ =	shalt  }
0x65: {  	_ =	shalt  }
0x66: {  	_ =	shalt  }
0x67: {  	_ =	shalt  }
0x68: {  	_ =	shalt  }
0x69: {  	_ =	shalt  }
0x6a: {  	_ =	shalt  }
0x6b: {  	_ =	shalt  }
0x6c: {  	_ =	shalt  }
0x6d: {  	_ =	shalt  }
0x6e: {  	_ =	shalt  }
0x6f: {  	_ =	shalt  }
0x70: {  	_ =	shalt  }
0x71: {  	_ =	shalt  }
0x72: {  	_ =	shalt  }
0x73: {  	_ =	shalt  }
0x74: {  	_ =	shalt  }
0x75: {  	_ =	shalt  }
0x76: {  	_ =	shalt  }
0x77: {  	_ =	shalt  }
0x78: {  	_ =	shalt  }
0x79: {  	_ =	shalt  }
0x7a: {  	_ =	shalt  }
0x7b: {  	_ =	shalt  }
0x7c: {  	_ =	shalt  }
0x7d: {  	_ =	shalt  }
0x7e: {  	_ =	shalt  }
0x7f: {  	_ =	shalt  }
0x80: {  	_ =	shalt  }
0x81: {  	_ =	shalt  }
0x82: {  	_ =	shalt  }
0x83: {  	_ =	shalt  }
0x84: {  	_ =	shalt  }
0x85: {  	_ =	shalt  }
0x86: {  	_ =	shalt  }
0x87: {  	_ =	shalt  }
.Lfunc_end0:
.L_simem_size_0:
called_computation.1_lowered:
.L_overlay_start_0:
0x88: {  	s2 =	sld [smem:$0x3FD9]  }
0x89: {  	s3 =	sld [smem:$0x3FFE];
	_ =	sdelay $0x1  }
0x8a: {  	s1 =	srdreg.scid  }
0x8b: {  	s0 =	sand.u32 $0x1, s1  }
0x8c: {  	s17 =	sshll.u32 s0, $0xA;
	s2 =	sadd.s32 s3, s2  }
0x8d: {  	s2 =	sadd.s32 s2, s17  }
0x8e: {  	[smem:$0x3FC2] =	sst s2  }
0x8f: {  	_ = 	snop  }
0x90: {  	s2 =	sld [smem:$0x3FD0];
	(tm) =	ssettm $0x1  }
0x91: {  	s18 =	sld [smem:$0x3FFB];
	_ =	sdelay $0x3  }
0x92: {  	_ =	strace s18  }
0x93: {  	s3 =	sld [smem:$0x3FFC];
	_ =	sdelay $0x3  }
0x94: {  	_ =	strace s3  }
0x95: {  	s3 =	sld [smem:$0x3FFD];
	_ =	sdelay $0x3  }
0x96: {  	_ =	strace s3  }
0x97: {  	_ =	strace $0x8FFFFFFF  }
0x98: {  	s19 =	sld [smem:$0x3FDB];
	_ =	sdelay $0x1  }
0x99: {  	s4 =	simm.s32 $_scs_section_size  }
0x9a: {  	s5 =	simm.s32 $_size__tile_overlayer_lowered;
	s6 =	simm.s32 $_tile_overlayer_lowered  }
0x9b: {  	s22 =	simm.s32 $0x1BFF;
	s21 =	sshll.u32 s6, $0x1;
	s3 =	sadd.s32 s4, s19  }
0x9c: {  	s7 =	simm.s32 $0x0;
	s20 =	sshll.u32 s5, $0x1;
	s5 =	sadd.s32 s21, s3  }
0x9d: {  	[timem:s7], [sflag:s22] =	dma.local [hbm:s5], s20  }
0x9e: {  	_ =	swait.ge [sflag:s22], s20  }
0x9f: {  	s4 =	ssub.s32 $0x0, s20;
	[sflag:s22] =	ssyncset.done $0x0  }
0xa0: {  	[sflag:s22] =	ssyncadd.s32 s4;
	_ =	sdelay $0x1  }
0xa1: {  	s23 =	simm.s32 $0x1B8B  }
0xa2: {  	_ =	swait.ge [sflag:s23], $0x1  }
0xa3: {  	[sflag:s23] =	ssyncset.done $0x0  }
0xa4: {  	s25 =	simm.s32 $0x1B8E;
	s24 =	sld [smem:$0x3FFE];
	[sflag:s23] =	ssyncadd.s32 $0xFFFFFFFF  }
0xa5: {  	s26 =	simm.s32 $execute0_lowered;
	[smem:$0x3FD2] =	sst s25  }
0xa6: {  	s5 =	sshll.u32 s26, $0x1;
	_ =	strace $0x80000049;
	[dreg:$0x1] =	wrdreg $0xFFFFFFFF  }
0xa7: {  	s28 =	simm.s32 $_size_execute0_lowered;
	s3 =	sadd.s32 s3, s5;
	[dreg:$0x0] =	wrdreg $0x0  }
0xa8: {  	s5 =	sshll.u32 s28, $0x1;
	[dreg:$0x2] =	wrdreg s3  }
0xa9: {  	[dreg:$0x3] =	wrdreg s5  }
0xaa: {  	[dreg:$0x4] =	wrdreg $0xC0  }
0xab: {  	_ =	task [dreg:s7], $0x5FFFF  }
0xac: {  	[dreg:$0x1] =	wrdreg $0xFFFFFFFF  }
0xad: {  	[dreg:$0x0] =	wrdreg $0x60  }
0xae: {  	[dreg:$0x2] =	wrdreg s2  }
0xaf: {  	[dreg:$0x3] =	wrdreg s24  }
0xb0: {  	[dreg:$0x4] =	wrdreg $0x0  }
0xb1: {  	[dreg:$0x5] =	wrdreg $0x9  }
0xb2: {  	_ =	task.clear_ibuf [dreg:s7], $0x6FFFF;
	_ =	strace $0x90000049  }
0xb3: {  	s29 =	simm.s32 $0x9;
	_ =	strace $0x8000004B  }
0xb4: {  	_ =	swait.ge [sflag:s29], $0x1  }
0xb5: {  	[sflag:s29] =	ssyncadd.s32 $0xFFFFFFFF  }
0xb6: {  	_ =	strace $0x9000004B  }
0xb7: {  	_ =	sfence  }
0xb8: {  	s30 =	sld [smem:$0x0];
	_ =	sdelay $0x2  }
0xb9: {  	s31 =	sshll.u32 s1, $0xD;
	s1 =	sshrl.u32 s1, $0x2  }
0xba: {  	s3 =	sand.u32 $0x4000, s31;
	s1 =	sadd.s32 s1, s30  }
0xbb: {  	s0 =	sor.u32 s3, s0;
	s1 =	sshll.u32 s1, $0x11  }
0xbc: {  	s0 =	sor.u32 s1, s0  }
0xbd: {  	s0 =	sadd.s32 $0x8F2B, s0  }
0xbe: {  	[sflag:s0] =	ssyncadd.remote.s32 $0x1  }
0xbf: {  	_ =	sfence.sel $0xFFFF  }
0xc0: {  	[dreg:$0x0] =	wrdreg $0xFFFFFFFF;
	(pc) =	sbr.abs _section_cstart, $3  }
0xc1: {  	[dreg:$0x1] =	wrdreg $0xFFFFFFFF  }
0xc2: {  	_ =	task.clear_ibuf [dreg:s7], $0x2FFFF;
	_ =	strace $0x9FFFFFFF  }
0xc3: {  	(tm) =	ssettm $0x7FFFFFFF  }
tec
execute0_lowered:
.L_overlay_start_1:
0x0: {  	(tag) =	ssettag $0x1  }
0x1: {  	s1 =	rddreg [dreg:$0x0]  }
0x2: {  	s0 =	rddreg [dreg:$0x1]  }
0x3: {  	s2 =	rddreg [dreg:$0x2];
	s3 =	simm.s32 $0x0;
	s4 =	srdreg.scid  }
0x4: {  	s10 =	stileid.u32;
	[smem:$0x7FF] =	sst s3;
	s4 =	sand.u32 $0x1, s4  }
0x5: {  	s5 =	sadd.s32 $0xBC00, s0;
	s7 =	sadd.s32 $0x1C00, s0;
	s8 =	smul.u32 $0x2800, s10  }
0x6: {  	s11 =	sadd.s32 $0x15C00, s0;
	_ =	strace $0x8000004A;
	s6 =	smul.u32 $0x28000, s4  }
0x7: {  	s9 =	sshll.u32 s4, $0x4;
	[dreg:$0xb] =	wrdreg s11;
	s4 =	ssub.s32 $0x2, s4  }
0x8: {  	s9 =	sor.u32 s10, s9;
	s10 =	smul.u32 $0x50000, s10;
	s23 =	sshrl.u32 s4, $0x1  }
0x9: {  	s8 =	sadd.s32 s8, s6;
	s9 =	smul.u32 $0x2800, s9;
	s4 =	ssub.s32 s4, s23  }
0xa: {  	s0 =	sadd.s32 s8, s0;
	s10 =	sshrl.u32 s10, $0x2;
	s17 =	smax.u32 s4, $0x1  }
0xb: {  	s9 =	sshrl.u32 s9, $0x3;
	s0 =	sadd.s32 $0x15E00, s0;
	[dreg:$0x15] =	wrdreg s17  }
0xc: {  	s16 =	sor.u32 $0x230, s8;
	s24 =	sadd.s32 s5, s9;
	[dreg:$0x14] =	wrdreg s0  }
0xd: {  	s6 =	sadd.s32 s10, s2;
	s25 =	sadd.s32 s7, s9;
	[dreg:$0xc] =	wrdreg s24  }
0xe: {  	s18 =	sshrl.u32 s16, $0x3;
	s19 =	sadd.s32 $0x1000, s6;
	[dreg:$0xd] =	wrdreg s25  }
0xf: {  	s28 =	simm.s32 $0x2;
	s20 =	sadd.s32 s18, s7;
	[dreg:$0x16] =	wrdreg s19  }
0x10: {  	s21 =	sor.u32 $0x1E0, s8;
	s23 =	sadd.s32 $0x2000, s6;
	[dreg:$0x4] =	wrdreg s20  }
0x11: {  	s22 =	sshrl.u32 s21, $0x3;
	s0 =	sadd.s32 s18, s5;
	[dreg:$0x17] =	wrdreg s23  }
0x12: {  	s29 =	simm.s32 $0x3;
	s4 =	sadd.s32 s22, s5;
	[dreg:$0x5] =	wrdreg s0  }
0x13: {  	s30 =	simm.s32 $0x4;
	s16 =	sadd.s32 $0x7000, s6;
	[dreg:$0x7] =	wrdreg s4  }
0x14: {  	s31 =	simm.s32 $0x0;
	s17 =	sadd.s32 $0x8000, s6;
	[dreg:$0x1c] =	wrdreg s16  }
0x15: {  	s26 =	sor.u32 $0xA, s9;
	s18 =	sadd.s32 $0x9000, s6;
	[dreg:$0x1d] =	wrdreg s17  }
0x16: {  	s13 =	sor.u32 $0x14, s9;
	s21 =	sadd.s32 $0xC000, s6;
	[dreg:$0x1e] =	wrdreg s18  }
0x17: {  	s9 =	sor.u32 $0x1E, s9;
	s12 =	sadd.s32 s5, s26;
	[smem:$0x7F9] =	sst s21  }
0x18: {  	s10 =	sadd.s32 s7, s26;
	s14 =	sadd.s32 s5, s13;
	[dreg:$0xe] =	wrdreg s12  }
0x19: {  	s15 =	sadd.s32 s5, s9;
	s9 =	sadd.s32 s7, s9;
	[dreg:$0xf] =	wrdreg s10  }
0x1a: {  	s24 =	sadd.s32 s22, s7;
	s25 =	sadd.s32 $0x3000, s6;
	[dreg:$0x10] =	wrdreg s14  }
0x1b: {  	s26 =	sor.u32 $0x190, s8;
	s8 =	sor.u32 $0x140, s8;
	[dreg:$0x12] =	wrdreg s15  }
0x1c: {  	s19 =	sadd.s32 $0xA000, s6;
	s20 =	sadd.s32 $0xB000, s6;
	[dreg:$0x13] =	wrdreg s9  }
0x1d: {  	s22 =	sadd.s32 $0xD000, s6;
	s23 =	sadd.s32 $0xE000, s6;
	[dreg:$0x18] =	wrdreg s25  }
0x1e: {  	s16 =	simm.s32 $0x14080;
	s17 =	simm.s32 $0x14280;
	[dreg:$0x6] =	wrdreg s24  }
0x1f: {  	s18 =	simm.s32 $0x16C00;
	s21 =	simm.s32 $0x19400;
	[dreg:$0x1f] =	wrdreg s19  }
0x20: {  	s10 =	sadd.s32 s7, s13;
	s0 =	sshrl.u32 s26, $0x3;
	[smem:$0x7F8] =	sst s20  }
0x21: {  	s12 =	sshrl.u32 s8, $0x3;
	s13 =	sadd.s32 $0x5000, s6;
	[smem:$0x7FA] =	sst s22  }
0x22: {  	s15 =	sadd.s32 $0x6000, s6;
	[smem:$0x7FB] =	sst s23;
	s25 =	sadd.s32 $0xF000, s6  }
0x23: {  	s26 =	sadd.s32 $0x10000, s6;
	s8 =	sadd.s32 $0x12000, s6;
	[dreg:$0x11] =	wrdreg s10  }
0x24: {  	s9 =	sadd.s32 $0x13000, s6;
	s19 =	simm.s32 $0x14100;
	[dreg:$0x1a] =	wrdreg s13  }
0x25: {  	s20 =	simm.s32 $0x14300;
	s22 =	simm.s32 $0x14180;
	[dreg:$0x1b] =	wrdreg s15  }
0x26: {  	s23 =	simm.s32 $0x14380;
	s10 =	sadd.s32 $0x4000, s6;
	[smem:$0x7FC] =	sst s25  }
0x27: {  	s11 =	sadd.s32 s0, s7;
	s0 =	sadd.s32 s0, s5;
	[smem:$0x7FD] =	sst s26  }
0x28: {  	s14 =	sadd.s32 s12, s7;
	s24 =	sadd.s32 s12, s5;
	[dreg:$0x19] =	wrdreg s10  }
0x29: {  	s7 =	sadd.s32 $0x11000, s6;
	s12 =	simm.s32 $0x14000;
	[dreg:$0x8] =	wrdreg s11  }
0x2a: {  	s13 =	simm.s32 $0x14200;
	s15 =	simm.s32 $0x14400;
	[dreg:$0x9] =	wrdreg s0  }
0x2b: {  	s25 =	simm.s32 $0x1BC00;
	s26 =	simm.s32 $0x1;
	[dreg:$0xa] =	wrdreg s14  }
0x2c: {  	s10 =	simm.s32 $0x1E400;
	s11 =	simm.s32 $0x5;
	s14 =	simm.s32 $0x50  }
.LBB2_1:
0x2d: {  	s0 =	rddreg [dreg:$0xb]  }
0x2e: {  	[tilespmem:s10], [sflag:$0x5] =	stream.linear.gather [hbm4b:s0+s3], $0x1000, $0x38;
	[tilespmem:$0x1F400] =	vst v63  }
0x2f: {  	_ =	swait.ge [sflag:s11], $0x1000  }
0x30: {  	[sflag:s11] =	ssyncset.done $0x0  }
0x31: {  	[sflag:s11] =	ssyncadd.s32 $0xFFFFF000  }
0x32: {  	[spmem:s6] =	stream.linear.scatter [tilespmem:s10], [sflag:$0x5], $0x1000, $0x38;
	[tilespmem:$0x1F400] =	vst v63  }
0x33: {  	_ =	swait.ge [sflag:s11], $0x1000  }
0x34: {  	[sflag:s11] =	ssyncset.done $0x0  }
0x35: {  	s4 =	rddreg [dreg:$0x16];
	[sflag:s11] =	ssyncadd.s32 $0xFFFFF000  }
0x36: {  	[spmem:s4] =	stream.linear.scatter [tilespmem:s10], [sflag:$0x5], $0x1000, $0x38;
	[tilespmem:$0x1F400] =	vst v63  }
0x37: {  	_ =	swait.ge [sflag:s11], $0x1000  }
0x38: {  	[sflag:s11] =	ssyncset.done $0x0  }
0x39: {  	s5 =	rddreg [dreg:$0x17];
	[sflag:s11] =	ssyncadd.s32 $0xFFFFF000  }
0x3a: {  	[spmem:s5] =	stream.linear.scatter [tilespmem:s10], [sflag:$0x5], $0x1000, $0x38;
	[tilespmem:$0x1F400] =	vst v63  }
0x3b: {  	_ =	swait.ge [sflag:s11], $0x1000  }
0x3c: {  	[sflag:s11] =	ssyncset.done $0x0  }
0x3d: {  	s4 =	rddreg [dreg:$0x18];
	[sflag:s11] =	ssyncadd.s32 $0xFFFFF000  }
0x3e: {  	[spmem:s4] =	stream.linear.scatter [tilespmem:s10], [sflag:$0x5], $0x1000, $0x38;
	[tilespmem:$0x1F400] =	vst v63  }
0x3f: {  	_ =	swait.ge [sflag:s11], $0x1000  }
0x40: {  	[sflag:s11] =	ssyncset.done $0x0  }
0x41: {  	s5 =	rddreg [dreg:$0x19];
	[sflag:s11] =	ssyncadd.s32 $0xFFFFF000  }
0x42: {  	[spmem:s5] =	stream.linear.scatter [tilespmem:s10], [sflag:$0x5], $0x1000, $0x38;
	[tilespmem:$0x1F400] =	vst v63  }
0x43: {  	_ =	swait.ge [sflag:s11], $0x1000  }
0x44: {  	[sflag:s11] =	ssyncset.done $0x0  }
0x45: {  	s4 =	rddreg [dreg:$0x1a];
	[sflag:s11] =	ssyncadd.s32 $0xFFFFF000  }
0x46: {  	[spmem:s4] =	stream.linear.scatter [tilespmem:s10], [sflag:$0x5], $0x1000, $0x38;
	[tilespmem:$0x1F400] =	vst v63  }
0x47: {  	_ =	swait.ge [sflag:s11], $0x1000  }
0x48: {  	[sflag:s11] =	ssyncset.done $0x0  }
0x49: {  	s5 =	rddreg [dreg:$0x1b];
	[sflag:s11] =	ssyncadd.s32 $0xFFFFF000  }
0x4a: {  	[spmem:s5] =	stream.linear.scatter [tilespmem:s10], [sflag:$0x5], $0x1000, $0x38;
	[tilespmem:$0x1F400] =	vst v63  }
0x4b: {  	_ =	swait.ge [sflag:s11], $0x1000  }
0x4c: {  	[sflag:s11] =	ssyncset.done $0x0  }
0x4d: {  	s4 =	rddreg [dreg:$0x1c];
	[sflag:s11] =	ssyncadd.s32 $0xFFFFF000  }
0x4e: {  	[spmem:s4] =	stream.linear.scatter [tilespmem:s10], [sflag:$0x5], $0x1000, $0x38;
	[tilespmem:$0x1F400] =	vst v63  }
0x4f: {  	_ =	swait.ge [sflag:s11], $0x1000  }
0x50: {  	[sflag:s11] =	ssyncset.done $0x0  }
0x51: {  	s5 =	rddreg [dreg:$0x1d];
	[sflag:s11] =	ssyncadd.s32 $0xFFFFF000  }
0x52: {  	[spmem:s5] =	stream.linear.scatter [tilespmem:s10], [sflag:$0x5], $0x1000, $0x38;
	[tilespmem:$0x1F400] =	vst v63  }
0x53: {  	_ =	swait.ge [sflag:s11], $0x1000  }
0x54: {  	[sflag:s11] =	ssyncset.done $0x0  }
0x55: {  	s4 =	rddreg [dreg:$0x1e];
	[sflag:s11] =	ssyncadd.s32 $0xFFFFF000  }
0x56: {  	[spmem:s4] =	stream.linear.scatter [tilespmem:s10], [sflag:$0x5], $0x1000, $0x38;
	[tilespmem:$0x1F400] =	vst v63  }
0x57: {  	_ =	swait.ge [sflag:s11], $0x1000  }
0x58: {  	[sflag:s11] =	ssyncset.done $0x0  }
0x59: {  	s5 =	rddreg [dreg:$0x1f];
	[sflag:s11] =	ssyncadd.s32 $0xFFFFF000  }
0x5a: {  	[spmem:s5] =	stream.linear.scatter [tilespmem:s10], [sflag:$0x5], $0x1000, $0x38;
	[tilespmem:$0x1F400] =	vst v63  }
0x5b: {  	_ =	swait.ge [sflag:s11], $0x1000  }
0x5c: {  	s4 =	sld [smem:$0x7F8]  }
0x5d: {  	[sflag:s11] =	ssyncset.done $0x0  }
0x5e: {  	[sflag:s11] =	ssyncadd.s32 $0xFFFFF000  }
0x5f: {  	[spmem:s4] =	stream.linear.scatter [tilespmem:s10], [sflag:$0x5], $0x1000, $0x38;
	[tilespmem:$0x1F400] =	vst v63  }
0x60: {  	_ =	swait.ge [sflag:s11], $0x1000  }
0x61: {  	s5 =	sld [smem:$0x7F9]  }
0x62: {  	[sflag:s11] =	ssyncset.done $0x0  }
0x63: {  	[sflag:s11] =	ssyncadd.s32 $0xFFFFF000  }
0x64: {  	[spmem:s5] =	stream.linear.scatter [tilespmem:s10], [sflag:$0x5], $0x1000, $0x38;
	[tilespmem:$0x1F400] =	vst v63  }
0x65: {  	_ =	swait.ge [sflag:s11], $0x1000  }
0x66: {  	s4 =	sld [smem:$0x7FA]  }
0x67: {  	[sflag:s11] =	ssyncset.done $0x0  }
0x68: {  	[sflag:s11] =	ssyncadd.s32 $0xFFFFF000  }
0x69: {  	[spmem:s4] =	stream.linear.scatter [tilespmem:s10], [sflag:$0x5], $0x1000, $0x38;
	[tilespmem:$0x1F400] =	vst v63  }
0x6a: {  	_ =	swait.ge [sflag:s11], $0x1000  }
0x6b: {  	s5 =	sld [smem:$0x7FB]  }
0x6c: {  	[sflag:s11] =	ssyncset.done $0x0  }
0x6d: {  	[sflag:s11] =	ssyncadd.s32 $0xFFFFF000  }
0x6e: {  	[spmem:s5] =	stream.linear.scatter [tilespmem:s10], [sflag:$0x5], $0x1000, $0x38;
	[tilespmem:$0x1F400] =	vst v63  }
0x6f: {  	_ =	swait.ge [sflag:s11], $0x1000  }
0x70: {  	s4 =	sld [smem:$0x7FC]  }
0x71: {  	[sflag:s11] =	ssyncset.done $0x0  }
0x72: {  	[sflag:s11] =	ssyncadd.s32 $0xFFFFF000  }
0x73: {  	[spmem:s4] =	stream.linear.scatter [tilespmem:s10], [sflag:$0x5], $0x1000, $0x38;
	[tilespmem:$0x1F400] =	vst v63  }
0x74: {  	_ =	swait.ge [sflag:s11], $0x1000  }
0x75: {  	s5 =	sld [smem:$0x7FD]  }
0x76: {  	[sflag:s11] =	ssyncset.done $0x0  }
0x77: {  	[sflag:s11] =	ssyncadd.s32 $0xFFFFF000  }
0x78: {  	[spmem:s5] =	stream.linear.scatter [tilespmem:s10], [sflag:$0x5], $0x1000, $0x38;
	[tilespmem:$0x1F400] =	vst v63  }
0x79: {  	_ =	swait.ge [sflag:s11], $0x1000  }
0x7a: {  	[sflag:s11] =	ssyncset.done $0x0  }
0x7b: {  	[sflag:s11] =	ssyncadd.s32 $0xFFFFF000  }
0x7c: {  	[spmem:s7] =	stream.linear.scatter [tilespmem:s10], [sflag:$0x5], $0x1000, $0x38;
	[tilespmem:$0x1F400] =	vst v63  }
0x7d: {  	_ =	swait.ge [sflag:s11], $0x1000  }
0x7e: {  	[sflag:s11] =	ssyncset.done $0x0  }
0x7f: {  	[sflag:s11] =	ssyncadd.s32 $0xFFFFF000  }
0x80: {  	[spmem:s8] =	stream.linear.scatter [tilespmem:s10], [sflag:$0x5], $0x1000, $0x38;
	[tilespmem:$0x1F400] =	vst v63  }
0x81: {  	_ =	swait.ge [sflag:s11], $0x1000  }
0x82: {  	[sflag:s11] =	ssyncset.done $0x0  }
0x83: {  	[sflag:s11] =	ssyncadd.s32 $0xFFFFF000  }
0x84: {  	[spmem:s9] =	stream.linear.scatter [tilespmem:s10], [sflag:$0x5], $0x1000, $0x38;
	[tilespmem:$0x1F400] =	vst v63  }
0x85: {  	_ =	swait.ge [sflag:s11], $0x1000  }
0x86: {  	[sflag:s11] =	ssyncset.done $0x0  }
0x87: {  	[sflag:s11] =	ssyncadd.s32 $0xFFFFF000  }
0x88: {  	[bflag:$0x0] =	sbarrier.arrive $0xFFFF  }
0x89: {  	s4 =	rddreg [dreg:$0xc]  }
0x8a: {  	[tilespmem:s12], [sflag:$0x5] =	stream.linear.gather [hbm4b:s4+s3], $0x50, $0x38;
	[tilespmem:$0x1F400] =	vst v63  }
0x8b: {  	_ =	swait.ge [sflag:s11], $0x50  }
0x8c: {  	[sflag:s11] =	ssyncset.done $0x0  }
0x8d: {  	s5 =	rddreg [dreg:$0xd];
	[sflag:s11] =	ssyncadd.s32 $0xFFFFFFB0  }
0x8e: {  	[tilespmem:s13], [sflag:$0x5] =	stream.linear.gather [hbm4b:s5+s3], $0x50, $0x38;
	[tilespmem:$0x1F400] =	vst v63  }
0x8f: {  	_ =	swait.ge [sflag:s11], $0x50  }
0x90: {  	[sflag:s11] =	ssyncset.done $0x0  }
0x91: {  	[sflag:s11] =	ssyncadd.s32 $0xFFFFFFB0  }
0x92: {  	[tilespmem:s15], [sflag:$0x1] =	stream.indirect.gather [hbm4b:s1+s14], $0x80, s12, s14, $0xb8;
	[tilespmem:$0x1F400] =	vst v63  }
0x93: {  	s4 =	rddreg [dreg:$0xe]  }
0x94: {  	[tilespmem:s16], [sflag:$0x5] =	stream.linear.gather [hbm4b:s4+s3], $0x50, $0x38;
	[tilespmem:$0x1F400] =	vst v63  }
0x95: {  	_ =	swait.ge [sflag:s11], $0x50  }
0x96: {  	[sflag:s11] =	ssyncset.done $0x0  }
0x97: {  	s5 =	rddreg [dreg:$0xf];
	[sflag:s11] =	ssyncadd.s32 $0xFFFFFFB0  }
0x98: {  	[tilespmem:s17], [sflag:$0x5] =	stream.linear.gather [hbm4b:s5+s3], $0x50, $0x38;
	[tilespmem:$0x1F400] =	vst v63  }
0x99: {  	_ =	swait.ge [sflag:s11], $0x50  }
0x9a: {  	[sflag:s11] =	ssyncset.done $0x0  }
0x9b: {  	[sflag:s11] =	ssyncadd.s32 $0xFFFFFFB0  }
0x9c: {  	[tilespmem:s18], [sflag:$0x2] =	stream.indirect.gather [hbm4b:s1+s14], $0x80, s16, s14, $0xb8;
	[tilespmem:$0x1F400] =	vst v63  }
0x9d: {  	s4 =	rddreg [dreg:$0x10]  }
0x9e: {  	[tilespmem:s19], [sflag:$0x5] =	stream.linear.gather [hbm4b:s4+s3], $0x50, $0x38;
	[tilespmem:$0x1F400] =	vst v63  }
0x9f: {  	_ =	swait.ge [sflag:s11], $0x50  }
0xa0: {  	[sflag:s11] =	ssyncset.done $0x0  }
0xa1: {  	s5 =	rddreg [dreg:$0x11];
	[sflag:s11] =	ssyncadd.s32 $0xFFFFFFB0  }
0xa2: {  	[tilespmem:s20], [sflag:$0x5] =	stream.linear.gather [hbm4b:s5+s3], $0x50, $0x38;
	[tilespmem:$0x1F400] =	vst v63  }
0xa3: {  	_ =	swait.ge [sflag:s11], $0x50  }
0xa4: {  	[sflag:s11] =	ssyncset.done $0x0  }
0xa5: {  	[sflag:s11] =	ssyncadd.s32 $0xFFFFFFB0  }
0xa6: {  	[tilespmem:s21], [sflag:$0x3] =	stream.indirect.gather [hbm4b:s1+s14], $0x80, s19, s14, $0xb8;
	[tilespmem:$0x1F400] =	vst v63  }
0xa7: {  	s4 =	rddreg [dreg:$0x12]  }
0xa8: {  	[tilespmem:s22], [sflag:$0x5] =	stream.linear.gather [hbm4b:s4+s3], $0x50, $0x38;
	[tilespmem:$0x1F400] =	vst v63  }
0xa9: {  	_ =	swait.ge [sflag:s11], $0x50  }
0xaa: {  	[sflag:s11] =	ssyncset.done $0x0  }
0xab: {  	s5 =	rddreg [dreg:$0x13];
	[sflag:s11] =	ssyncadd.s32 $0xFFFFFFB0  }
0xac: {  	[tilespmem:s23], [sflag:$0x5] =	stream.linear.gather [hbm4b:s5+s3], $0x50, $0x38;
	[tilespmem:$0x1F400] =	vst v63  }
0xad: {  	_ =	swait.ge [sflag:s11], $0x50  }
0xae: {  	[sflag:s11] =	ssyncset.done $0x0  }
0xaf: {  	[sflag:s11] =	ssyncadd.s32 $0xFFFFFFB0  }
0xb0: {  	[tilespmem:s25], [sflag:$0x4] =	stream.indirect.gather [hbm4b:s1+s14], $0x80, s22, s14, $0xb8;
	[tilespmem:$0x1F400] =	vst v63  }
0xb1: {  	_ =	swait.ge [sflag:s26], $0x2800  }
0xb2: {  	[sflag:s26] =	ssyncset.done $0x0  }
0xb3: {  	[sflag:s26] =	ssyncadd.s32 $0xFFFFD800  }
0xb4: {  	[spmem:s2] =	stream.indirect.scatter.add.f32 [tilespmem:s15], [sflag:$0x5], $0x80, s13, s14, $0xb8;
	[tilespmem:$0x1F400] =	vst v63  }
0xb5: {  	_ =	swait.ge [sflag:s11], $0x2800  }
0xb6: {  	[sflag:s11] =	ssyncset.done $0x0  }
0xb7: {  	s4 =	sadd.s32 $0x0, s24;
	[sflag:s11] =	ssyncadd.s32 $0xFFFFD800  }
0xb8: {  	[tilespmem:s12], [sflag:$0x5] =	stream.linear.gather [hbm4b:s4+s3], $0x50, $0x38;
	[tilespmem:$0x1F400] =	vst v63  }
0xb9: {  	_ =	swait.ge [sflag:s11], $0x50  }
0xba: {  	s5 =	rddreg [dreg:$0xa];
	[sflag:s11] =	ssyncset.done $0x0  }
0xbb: {  	[sflag:s11] =	ssyncadd.s32 $0xFFFFFFB0;
	s0 =	sadd.s32 $0x0, s5  }
0xbc: {  	[tilespmem:s13], [sflag:$0x5] =	stream.linear.gather [hbm4b:s0+s3], $0x50, $0x38;
	[tilespmem:$0x1F400] =	vst v63  }
0xbd: {  	_ =	swait.ge [sflag:s11], $0x50  }
0xbe: {  	[sflag:s11] =	ssyncset.done $0x0  }
0xbf: {  	[sflag:s11] =	ssyncadd.s32 $0xFFFFFFB0  }
0xc0: {  	[tilespmem:s15], [sflag:$0x1] =	stream.indirect.gather [hbm4b:s1+s14], $0x80, s12, s14, $0xb8;
	[tilespmem:$0x1F400] =	vst v63  }
0xc1: {  	_ =	swait.ge [sflag:s28], $0x2800  }
0xc2: {  	[sflag:s28] =	ssyncset.done $0x0  }
0xc3: {  	[sflag:s28] =	ssyncadd.s32 $0xFFFFD800  }
0xc4: {  	[spmem:s2] =	stream.indirect.scatter.add.f32 [tilespmem:s18], [sflag:$0x5], $0x80, s17, s14, $0xb8;
	[tilespmem:$0x1F400] =	vst v63  }
0xc5: {  	_ =	swait.ge [sflag:s11], $0x2800  }
0xc6: {  	s4 =	rddreg [dreg:$0x9];
	[sflag:s11] =	ssyncset.done $0x0  }
0xc7: {  	[sflag:s11] =	ssyncadd.s32 $0xFFFFD800;
	s0 =	sadd.s32 $0x0, s4  }
0xc8: {  	[tilespmem:s16], [sflag:$0x5] =	stream.linear.gather [hbm4b:s0+s3], $0x50, $0x38;
	[tilespmem:$0x1F400] =	vst v63  }
0xc9: {  	_ =	swait.ge [sflag:s11], $0x50  }
0xca: {  	s5 =	rddreg [dreg:$0x8];
	[sflag:s11] =	ssyncset.done $0x0  }
0xcb: {  	[sflag:s11] =	ssyncadd.s32 $0xFFFFFFB0;
	s0 =	sadd.s32 $0x0, s5  }
0xcc: {  	[tilespmem:s17], [sflag:$0x5] =	stream.linear.gather [hbm4b:s0+s3], $0x50, $0x38;
	[tilespmem:$0x1F400] =	vst v63  }
0xcd: {  	_ =	swait.ge [sflag:s11], $0x50  }
0xce: {  	[sflag:s11] =	ssyncset.done $0x0  }
0xcf: {  	[sflag:s11] =	ssyncadd.s32 $0xFFFFFFB0  }
0xd0: {  	[tilespmem:s18], [sflag:$0x2] =	stream.indirect.gather [hbm4b:s1+s14], $0x80, s16, s14, $0xb8;
	[tilespmem:$0x1F400] =	vst v63  }
0xd1: {  	_ =	swait.ge [sflag:s29], $0x2800  }
0xd2: {  	[sflag:s29] =	ssyncset.done $0x0  }
0xd3: {  	[sflag:s29] =	ssyncadd.s32 $0xFFFFD800  }
0xd4: {  	[spmem:s2] =	stream.indirect.scatter.add.f32 [tilespmem:s21], [sflag:$0x5], $0x80, s20, s14, $0xb8;
	[tilespmem:$0x1F400] =	vst v63  }
0xd5: {  	_ =	swait.ge [sflag:s11], $0x2800  }
0xd6: {  	s4 =	rddreg [dreg:$0x7];
	[sflag:s11] =	ssyncset.done $0x0  }
0xd7: {  	[sflag:s11] =	ssyncadd.s32 $0xFFFFD800;
	s0 =	sadd.s32 $0x0, s4  }
0xd8: {  	[tilespmem:s19], [sflag:$0x5] =	stream.linear.gather [hbm4b:s0+s3], $0x50, $0x38;
	[tilespmem:$0x1F400] =	vst v63  }
0xd9: {  	_ =	swait.ge [sflag:s11], $0x50  }
0xda: {  	s5 =	rddreg [dreg:$0x6];
	[sflag:s11] =	ssyncset.done $0x0  }
0xdb: {  	[sflag:s11] =	ssyncadd.s32 $0xFFFFFFB0;
	s0 =	sadd.s32 $0x0, s5  }
0xdc: {  	[tilespmem:s20], [sflag:$0x5] =	stream.linear.gather [hbm4b:s0+s3], $0x50, $0x38;
	[tilespmem:$0x1F400] =	vst v63  }
0xdd: {  	_ =	swait.ge [sflag:s11], $0x50  }
0xde: {  	[sflag:s11] =	ssyncset.done $0x0  }
0xdf: {  	[sflag:s11] =	ssyncadd.s32 $0xFFFFFFB0  }
0xe0: {  	[tilespmem:s21], [sflag:$0x3] =	stream.indirect.gather [hbm4b:s1+s14], $0x80, s19, s14, $0xb8;
	[tilespmem:$0x1F400] =	vst v63  }
0xe1: {  	_ =	swait.ge [sflag:s30], $0x2800  }
0xe2: {  	[sflag:s30] =	ssyncset.done $0x0  }
0xe3: {  	[sflag:s30] =	ssyncadd.s32 $0xFFFFD800  }
0xe4: {  	[spmem:s2] =	stream.indirect.scatter.add.f32 [tilespmem:s25], [sflag:$0x5], $0x80, s23, s14, $0xb8;
	[tilespmem:$0x1F400] =	vst v63  }
0xe5: {  	_ =	swait.ge [sflag:s11], $0x2800  }
0xe6: {  	s4 =	rddreg [dreg:$0x5];
	[sflag:s11] =	ssyncset.done $0x0  }
0xe7: {  	[sflag:s11] =	ssyncadd.s32 $0xFFFFD800;
	s0 =	sadd.s32 $0x0, s4  }
0xe8: {  	[tilespmem:s22], [sflag:$0x5] =	stream.linear.gather [hbm4b:s0+s3], $0x50, $0x38;
	[tilespmem:$0x1F400] =	vst v63  }
0xe9: {  	_ =	swait.ge [sflag:s11], $0x50  }
0xea: {  	s5 =	rddreg [dreg:$0x4];
	[sflag:s11] =	ssyncset.done $0x0  }
0xeb: {  	[sflag:s11] =	ssyncadd.s32 $0xFFFFFFB0;
	s0 =	sadd.s32 $0x0, s5  }
0xec: {  	[tilespmem:s23], [sflag:$0x5] =	stream.linear.gather [hbm4b:s0+s3], $0x50, $0x38;
	[tilespmem:$0x1F400] =	vst v63  }
0xed: {  	_ =	swait.ge [sflag:s11], $0x50  }
0xee: {  	[sflag:s11] =	ssyncset.done $0x0  }
0xef: {  	s0 =	simm.s32 $0x28;
	[sflag:s11] =	ssyncadd.s32 $0xFFFFFFB0  }
.LBB2_2:
0xf0: {  	[tilespmem:s25], [sflag:$0x4] =	stream.indirect.gather [hbm4b:s1+s14], $0x80, s22, s14, $0xb8;
	[tilespmem:$0x1F400] =	vst v63  }
0xf1: {  	_ =	swait.ge [sflag:s26], $0x2800  }
0xf2: {  	[sflag:s26] =	ssyncset.done $0x0  }
0xf3: {  	[sflag:s26] =	ssyncadd.s32 $0xFFFFD800  }
0xf4: {  	[spmem:s2] =	stream.indirect.scatter.add.f32 [tilespmem:s15], [sflag:$0x5], $0x80, s13, s14, $0xb8;
	[tilespmem:$0x1F400] =	vst v63  }
0xf5: {  	_ =	swait.ge [sflag:s11], $0x2800  }
0xf6: {  	s4 =	smov.u32 s0;
	[sflag:s11] =	ssyncset.done $0x0  }
0xf7: {  	s5 =	sadd.s32 s4, s24;
	[sflag:s11] =	ssyncadd.s32 $0xFFFFD800  }
0xf8: {  	[tilespmem:s12], [sflag:$0x5] =	stream.linear.gather [hbm4b:s5+s3], $0x50, $0x38;
	[tilespmem:$0x1F400] =	vst v63  }
0xf9: {  	_ =	swait.ge [sflag:s11], $0x50  }
0xfa: {  	s5 =	rddreg [dreg:$0xa];
	[sflag:s11] =	ssyncset.done $0x0  }
0xfb: {  	[sflag:s11] =	ssyncadd.s32 $0xFFFFFFB0;
	s5 =	sadd.s32 s4, s5  }
0xfc: {  	[tilespmem:s13], [sflag:$0x5] =	stream.linear.gather [hbm4b:s5+s3], $0x50, $0x38;
	[tilespmem:$0x1F400] =	vst v63  }
0xfd: {  	_ =	swait.ge [sflag:s11], $0x50  }
0xfe: {  	[sflag:s11] =	ssyncset.done $0x0  }
0xff: {  	[sflag:s11] =	ssyncadd.s32 $0xFFFFFFB0  }
0x100: {  	[tilespmem:s15], [sflag:$0x1] =	stream.indirect.gather [hbm4b:s1+s14], $0x80, s12, s14, $0xb8;
	[tilespmem:$0x1F400] =	vst v63  }
0x101: {  	_ =	swait.ge [sflag:s28], $0x2800  }
0x102: {  	[sflag:s28] =	ssyncset.done $0x0  }
0x103: {  	[sflag:s28] =	ssyncadd.s32 $0xFFFFD800  }
0x104: {  	[spmem:s2] =	stream.indirect.scatter.add.f32 [tilespmem:s18], [sflag:$0x5], $0x80, s17, s14, $0xb8;
	[tilespmem:$0x1F400] =	vst v63  }
0x105: {  	_ =	swait.ge [sflag:s11], $0x2800  }
0x106: {  	s5 =	rddreg [dreg:$0x9];
	[sflag:s11] =	ssyncset.done $0x0  }
0x107: {  	[sflag:s11] =	ssyncadd.s32 $0xFFFFD800;
	s5 =	sadd.s32 s4, s5  }
0x108: {  	[tilespmem:s16], [sflag:$0x5] =	stream.linear.gather [hbm4b:s5+s3], $0x50, $0x38;
	[tilespmem:$0x1F400] =	vst v63  }
0x109: {  	_ =	swait.ge [sflag:s11], $0x50  }
0x10a: {  	s5 =	rddreg [dreg:$0x8];
	[sflag:s11] =	ssyncset.done $0x0  }
0x10b: {  	[sflag:s11] =	ssyncadd.s32 $0xFFFFFFB0;
	s5 =	sadd.s32 s4, s5  }
0x10c: {  	[tilespmem:s17], [sflag:$0x5] =	stream.linear.gather [hbm4b:s5+s3], $0x50, $0x38;
	[tilespmem:$0x1F400] =	vst v63  }
0x10d: {  	_ =	swait.ge [sflag:s11], $0x50  }
0x10e: {  	[sflag:s11] =	ssyncset.done $0x0  }
0x10f: {  	[sflag:s11] =	ssyncadd.s32 $0xFFFFFFB0  }
0x110: {  	[tilespmem:s18], [sflag:$0x2] =	stream.indirect.gather [hbm4b:s1+s14], $0x80, s16, s14, $0xb8;
	[tilespmem:$0x1F400] =	vst v63  }
0x111: {  	_ =	swait.ge [sflag:s29], $0x2800  }
0x112: {  	[sflag:s29] =	ssyncset.done $0x0  }
0x113: {  	[sflag:s29] =	ssyncadd.s32 $0xFFFFD800  }
0x114: {  	[spmem:s2] =	stream.indirect.scatter.add.f32 [tilespmem:s21], [sflag:$0x5], $0x80, s20, s14, $0xb8;
	[tilespmem:$0x1F400] =	vst v63  }
0x115: {  	_ =	swait.ge [sflag:s11], $0x2800  }
0x116: {  	s5 =	rddreg [dreg:$0x7];
	[sflag:s11] =	ssyncset.done $0x0  }
0x117: {  	[sflag:s11] =	ssyncadd.s32 $0xFFFFD800;
	s5 =	sadd.s32 s4, s5  }
0x118: {  	[tilespmem:s19], [sflag:$0x5] =	stream.linear.gather [hbm4b:s5+s3], $0x50, $0x38;
	[tilespmem:$0x1F400] =	vst v63  }
0x119: {  	_ =	swait.ge [sflag:s11], $0x50  }
0x11a: {  	s5 =	rddreg [dreg:$0x6];
	[sflag:s11] =	ssyncset.done $0x0  }
0x11b: {  	[sflag:s11] =	ssyncadd.s32 $0xFFFFFFB0;
	s5 =	sadd.s32 s4, s5  }
0x11c: {  	[tilespmem:s20], [sflag:$0x5] =	stream.linear.gather [hbm4b:s5+s3], $0x50, $0x38;
	[tilespmem:$0x1F400] =	vst v63  }
0x11d: {  	_ =	swait.ge [sflag:s11], $0x50  }
0x11e: {  	[sflag:s11] =	ssyncset.done $0x0  }
0x11f: {  	[sflag:s11] =	ssyncadd.s32 $0xFFFFFFB0  }
0x120: {  	[tilespmem:s21], [sflag:$0x3] =	stream.indirect.gather [hbm4b:s1+s14], $0x80, s19, s14, $0xb8;
	[tilespmem:$0x1F400] =	vst v63  }
0x121: {  	_ =	swait.ge [sflag:s30], $0x2800  }
0x122: {  	[sflag:s30] =	ssyncset.done $0x0  }
0x123: {  	[sflag:s30] =	ssyncadd.s32 $0xFFFFD800  }
0x124: {  	[spmem:s2] =	stream.indirect.scatter.add.f32 [tilespmem:s25], [sflag:$0x5], $0x80, s23, s14, $0xb8;
	[tilespmem:$0x1F400] =	vst v63  }
0x125: {  	_ =	swait.ge [sflag:s11], $0x2800  }
0x126: {  	s5 =	rddreg [dreg:$0x5];
	[sflag:s11] =	ssyncset.done $0x0  }
0x127: {  	[sflag:s11] =	ssyncadd.s32 $0xFFFFD800;
	s5 =	sadd.s32 s4, s5  }
0x128: {  	[tilespmem:s22], [sflag:$0x5] =	stream.linear.gather [hbm4b:s5+s3], $0x50, $0x38;
	[tilespmem:$0x1F400] =	vst v63  }
0x129: {  	_ =	swait.ge [sflag:s11], $0x50  }
0x12a: {  	p0 =	sne.s32 s0, $0x4B0;
	s5 =	rddreg [dreg:$0x4];
	[sflag:s11] =	ssyncset.done $0x0  }
.Ltmp0:
0x12b: {  	[sflag:s11] =	ssyncadd.s32 $0xFFFFFFB0;
	s4 =	sadd.s32 s4, s5;
	(pc) =	sbr.rel @p0 .LBB2_2-.Ltmp0, $4  }
0x12c: {  	[tilespmem:s23], [sflag:$0x5] =	stream.linear.gather [hbm4b:s4+s3], $0x50, $0x38;
	[tilespmem:$0x1F400] =	vst v63  }
0x12d: {  	_ =	swait.ge [sflag:s11], $0x50  }
0x12e: {  	[sflag:s11] =	ssyncset.done $0x0  }
0x12f: {  	s0 =	sadd.s32 $0x28, s0;
	[sflag:s11] =	ssyncadd.s32 $0xFFFFFFB0  }
0x130: {  	[tilespmem:s25], [sflag:$0x4] =	stream.indirect.gather [hbm4b:s1+s14], $0x80, s22, s14, $0xb8;
	[tilespmem:$0x1F400] =	vst v63  }
0x131: {  	_ =	swait.ge [sflag:s26], $0x2800  }
0x132: {  	[sflag:s26] =	ssyncset.done $0x0  }
0x133: {  	[sflag:s26] =	ssyncadd.s32 $0xFFFFD800  }
0x134: {  	[spmem:s2] =	stream.indirect.scatter.add.f32 [tilespmem:s15], [sflag:$0x5], $0x80, s13, s14, $0xb8;
	[tilespmem:$0x1F400] =	vst v63  }
0x135: {  	_ =	swait.ge [sflag:s11], $0x2800  }
0x136: {  	[sflag:s11] =	ssyncset.done $0x0  }
0x137: {  	[sflag:s11] =	ssyncadd.s32 $0xFFFFD800  }
0x138: {  	_ =	swait.ge [sflag:s28], $0x2800  }
0x139: {  	[sflag:s28] =	ssyncset.done $0x0  }
0x13a: {  	[sflag:s28] =	ssyncadd.s32 $0xFFFFD800  }
0x13b: {  	[spmem:s2] =	stream.indirect.scatter.add.f32 [tilespmem:s18], [sflag:$0x5], $0x80, s17, s14, $0xb8;
	[tilespmem:$0x1F400] =	vst v63  }
0x13c: {  	_ =	swait.ge [sflag:s11], $0x2800  }
0x13d: {  	[sflag:s11] =	ssyncset.done $0x0  }
0x13e: {  	[sflag:s11] =	ssyncadd.s32 $0xFFFFD800  }
0x13f: {  	_ =	swait.ge [sflag:s29], $0x2800  }
0x140: {  	[sflag:s29] =	ssyncset.done $0x0  }
0x141: {  	[sflag:s29] =	ssyncadd.s32 $0xFFFFD800  }
0x142: {  	[spmem:s2] =	stream.indirect.scatter.add.f32 [tilespmem:s21], [sflag:$0x5], $0x80, s20, s14, $0xb8;
	[tilespmem:$0x1F400] =	vst v63  }
0x143: {  	_ =	swait.ge [sflag:s11], $0x2800  }
0x144: {  	[sflag:s11] =	ssyncset.done $0x0  }
0x145: {  	[sflag:s11] =	ssyncadd.s32 $0xFFFFD800  }
0x146: {  	_ =	swait.ge [sflag:s30], $0x2800  }
0x147: {  	[sflag:s30] =	ssyncset.done $0x0  }
0x148: {  	[sflag:s30] =	ssyncadd.s32 $0xFFFFD800  }
0x149: {  	[spmem:s2] =	stream.indirect.scatter.add.f32 [tilespmem:s25], [sflag:$0x5], $0x80, s23, s14, $0xb8;
	[tilespmem:$0x1F400] =	vst v63  }
0x14a: {  	_ =	swait.ge [sflag:s11], $0x2800  }
0x14b: {  	[sflag:s11] =	ssyncset.done $0x0  }
0x14c: {  	s0 =	stileid.u32;
	[sflag:s11] =	ssyncadd.s32 $0xFFFFD800  }
0x14d: {  	s0 =	sshll.u32 s0, $0x6;
	[bflag:$0x0] =	sbarrier.arrive $0xFFFF  }
0x14e: {  	s4 =	sshrl.u32 s6, $0x3;
	s0 =	sor.u32 $0x1C05, s0;
	s5 =	rddreg [dreg:$0x14]  }
0x14f: {  	[hbm:s5], [sflag:s0] =	dma.local [spmem:s4], $0x2800  }
0x150: {  	_ =	swait.ge [sflag:s11], $0x2800  }
0x151: {  	s31 =	sadd.s32 $0x1, s31;
	s5 =	rddreg [dreg:$0x15]  }
0x152: {  	p0 =	sne.s32 s31, s5  }
.Ltmp1:
0x153: {  	_ = 	snop;
	(pc) =	sbr.rel @p0 .LBB2_1-.Ltmp1, $3  }
0x154: {  	_ =	sdelay $0x1  }
0x155: {  	[sflag:s11] =	ssyncset.done $0x0  }
0x156: {  	[sflag:s11] =	ssyncadd.s32 $0xFFFFD800  }
0x157: {  	_ =	sfence.sel $0x180000  }
0x158: {  	[bflag:$0x0] =	sbarrier.arrive $0xFFFF  }
0x159: {  	_ =	strace $0x9000004A  }
0x15a: {  	s0 =	stileid.u32;
	[bflag:$0x2] =	sbarrier.arrive $0xFFFF  }
0x15b: {  	p0 =	sne.s32 s0, $0x0;
	s0 =	rddreg [dreg:$0x3]  }
0x15c: {  	s0 =	sadd.s32 @!p0 $0x100000, s0  }
0x15d: {  	[sflag:s0] =	ssyncadd.tile.s32 @!p0 $0x1;
	_ =	shalt  }
.Lfunc_end2:
_tile_overlayer_lowered:
.L_overlay_start_2:
0x15e: {  	(tag) =	ssettag $0x2  }
0x15f: {  	s0 =	rddreg [dreg:$0x0];
	s2 =	stileid.u32  }
0x160: {  	s1 =	rddreg [dreg:$0x1];
	p0 =	sne.s32 s2, $0x0  }
0x161: {  	s3 =	rddreg [dreg:$0x2];
	[bflag:$0x3] =	sbarrier.arrive $0xFFFF;
	s2 =	simm.s32 @!p0 $0x1C05  }
0x162: {  	[timem:s3], [sflag:s2] =	dma.local @!p0 [hbm:s0], s1  }
0x163: {  	s0 =	simm.s32 @!p0 $0x5  }
0x164: {  	_ =	swait.ge @!p0 [sflag:s0], s1  }
0x165: {  	s1 =	ssub.s32 @!p0 $0x0, s1;
	[sflag:s0] =	ssyncset.done @!p0 $0x0  }
0x166: {  	[sflag:s0] =	ssyncadd.s32 @!p0 s1  }
0x167: {  	[bflag:$0x3] =	sbarrier.arrive $0xFFFF  }
0x168: {  	_ =	shalt  }

</sc_bundles>
